<compile_context>
chip_gen: v7x
topology: tpu7x:2x2x1
jax: 0.10.2.dev20260603
libtpu: 0.0.44.dev20260713+nightly
codegen_flags: <defaults>
</compile_context>

<pallas_src>
import functools

import jax
import jax.numpy as jnp
import numpy as np
from jax import lax
from jax.experimental import pallas as pl
from jax.experimental.pallas import tpu as pltpu
from jax.experimental.pallas import tpu_sc as plsc

V = 100000
B = 1024
_LS = 0.1
_S = np.float32(_LS / (V - 2))
_C = np.float32(1.0 - _LS)
_KL_CONST = np.float32((V - 1) * (_S * np.float32(np.log(_S))) + _C * np.float32(np.log(_C)))
_CMS = np.float32(_C - _S)

_VT = 68000
_VS = V - _VT

_NC = 2
_NS = 16
_L = 16
_NW = _NC * _NS
_NVS = 4
_NCB = _NW // _NVS
_SPT = _VS // _NVS
_SCR = 200
_SNCH = _SPT // _SCR

_sc_mesh = plsc.VectorSubcoreMesh(core_axis_name="c", subcore_axis_name="s")


@functools.partial(
    pl.kernel,
    mesh=_sc_mesh,
    out_type=[
        jax.ShapeDtypeStruct((_NVS, B), jnp.float32),
        jax.ShapeDtypeStruct((_NVS, B), jnp.float32),
    ],
    scratch_types=[
        pltpu.VMEM((_SCR, 128), jnp.float32),
        pltpu.VMEM((_SCR, 128), jnp.float32),
        pltpu.VMEM((128,), jnp.int32),
        pltpu.VMEM((128,), jnp.float32),
        pltpu.VMEM((128,), jnp.float32),
        pltpu.SemaphoreType.DMA,
        pltpu.SemaphoreType.DMA,
    ],
)
def _sc_nmt(xt_hbm, tgt_hbm, rs_hbm, val_hbm, buf0, buf1, tgt_v, orow_v,
            oval_v, sem0, sem1):
    wid = lax.axis_index("s") * _NC + lax.axis_index("c")
    vs = lax.rem(wid, _NVS)
    cb = wid // _NVS
    v0 = _VT + vs * _SPT
    c0 = cb * 128

    bufs = (buf0, buf1)
    sems = (sem0, sem1)

    def chunk_copy(k, b):
        return pltpu.make_async_copy(
            xt_hbm.at[pl.ds(v0 + k * _SCR, _SCR), pl.ds(c0, 128)],
            bufs[b],
            sems[b],
        )

    pltpu.sync_copy(tgt_hbm.at[pl.ds(c0, 128)], tgt_v)
    tgts = [tgt_v[pl.ds(g * _L, _L)] for g in range(8)]

    chunk_copy(0, 0).start()
    chunk_copy(1, 1).start()

    zero = jnp.zeros((_L,), jnp.float32)

    def pair_body(p, carry):
        accs = carry
        for b in range(2):
            k = p * 2 + b
            chunk_copy(k, b).wait()
            buf = bufs[b]
            vbase = v0 + k * _SCR

            def row_body(r, accs):
                accs = list(accs)
                vrow = vbase + r
                for g in range(8):
                    x = buf[r, pl.ds(g * _L, _L)]
                    accs[g] = accs[g] + x
                    accs[8 + g] = accs[8 + g] + jnp.where(
                        tgts[g] == vrow, x, jnp.float32(0)
                    )
                return tuple(accs)

            accs = lax.fori_loop(0, _SCR, row_body, accs)

            @pl.when(k + 2 < _SNCH)
            def _():
                chunk_copy(k + 2, b).start()

        return accs

    accs = lax.fori_loop(0, _SNCH // 2, pair_body, tuple([zero] * 16))

    for g in range(8):
        orow_v[pl.ds(g * _L, _L)] = accs[g]
        oval_v[pl.ds(g * _L, _L)] = accs[8 + g]
    pltpu.sync_copy(orow_v, rs_hbm.at[vs, pl.ds(c0, 128)])
    pltpu.sync_copy(oval_v, val_hbm.at[vs, pl.ds(c0, 128)])


_RC = 1000
_K = 4
_TNCH = _VT // _RC
_NROUND = _TNCH // _K


def _tc_body(xt_hbm, t_ref, rs_ref, val_ref, buf, sem):
    def copy(c, b):
        return pltpu.make_async_copy(
            xt_hbm.at[pl.ds(c * _RC, _RC)], buf.at[b], sem.at[b]
        )

    for b in range(_K):
        copy(b, b).start()

    def round_body(r, carry):
        acc, vacc = carry
        for b in range(_K):
            c = r * _K + b
            copy(c, b).wait()
            x = buf[b]
            acc = acc + jnp.sum(x, axis=0, keepdims=True)
            rows = lax.broadcasted_iota(jnp.int32, (_RC, B), 0)
            tsh = t_ref[...] - c * _RC
            vacc = vacc + jnp.sum(
                jnp.where(rows == tsh, x, jnp.float32(0)), axis=0, keepdims=True
            )

            @pl.when(r + 1 < _NROUND)
            def _():
                copy(c + _K, b).start()

        return acc, vacc

    acc, vacc = lax.fori_loop(
        0,
        _NROUND,
        round_body,
        (jnp.zeros((1, B), jnp.float32), jnp.zeros((1, B), jnp.float32)),
    )
    rs_ref[...] = acc
    val_ref[...] = vacc


_tc_call = pl.pallas_call(
    _tc_body,
    in_specs=[
        pl.BlockSpec(memory_space=pl.ANY),
        pl.BlockSpec(memory_space=pltpu.VMEM),
    ],
    out_specs=[
        pl.BlockSpec(memory_space=pltpu.VMEM),
        pl.BlockSpec(memory_space=pltpu.VMEM),
    ],
    out_shape=[
        jax.ShapeDtypeStruct((1, B), jnp.float32),
        jax.ShapeDtypeStruct((1, B), jnp.float32),
    ],
    scratch_shapes=[
        pltpu.VMEM((_K, _RC, B), jnp.float32),
        pltpu.SemaphoreType.DMA((_K,)),
    ],
)


def _combine_body(rt_ref, vt_ref, rsc_ref, vsc_ref, o_ref):
    rs = rt_ref[...] + jnp.sum(rsc_ref[...], axis=0, keepdims=True)
    val = vt_ref[...] + jnp.sum(vsc_ref[...], axis=0, keepdims=True)
    o_ref[...] = _KL_CONST - _S * rs - _CMS * val


_combine = pl.pallas_call(
    _combine_body,
    out_shape=jax.ShapeDtypeStruct((1, B), jnp.float32),
)


def kernel(output, target):
    tgt = target.astype(jnp.int32)
    xt = output.T
    rs_sc, val_sc = _sc_nmt(xt, tgt)
    rs_tc, val_tc = _tc_call(xt, tgt.reshape(1, B))
    res = _combine(rs_tc, val_tc, rs_sc, val_sc)
    return res.reshape(B)

# --- scband reference (transcript-rebuilt; emitter-appended) ---
"""Pipeline reference for scband-nmtloss-6468220747913 (READ-ONLY COPY).

The authoritative reference and input builder live on the scoring server;
editing this copy changes nothing except your own understanding.
"""

import jax, jax.numpy as jnp
import numpy as np

LABEL_SMOOTHING = 0.1
TGT_VOCAB_SIZE = 100000
BATCH = 1024
SMOOTHING_VALUE = LABEL_SMOOTHING / (TGT_VOCAB_SIZE - 2)
CONFIDENCE = 1.0 - LABEL_SMOOTHING


def setup_inputs(seed: int = 0) -> dict:
    key = jax.random.key(seed)
    k1, k2 = jax.random.split(key)
    # output is expected to be log-probabilities (input to kl_div); random normal is
    # numerically fine and matches the harness fill spec.
    output = jax.random.normal(k1, (BATCH, TGT_VOCAB_SIZE), dtype=jnp.float32)
    target = jax.random.randint(k2, (BATCH,), 0, TGT_VOCAB_SIZE, dtype=jnp.int64 if jax.config.read('jax_enable_x64') else jnp.int32)
    return {"output": output, "target": target}


def reference(output, target):
    # model_prob = one_hot.repeat(bsz, 1); scatter confidence at target index
    bsz = output.shape[0]
    model_prob = jnp.full((bsz, TGT_VOCAB_SIZE), SMOOTHING_VALUE, dtype=output.dtype)
    model_prob = model_prob.at[jnp.arange(bsz), target].set(CONFIDENCE)
    # F.kl_div(input=log-probs, target=probs, reduction='none') = target * (log(target) - input)
    kl = model_prob * (jnp.log(model_prob) - output)
    return jnp.sum(kl, axis=-1)

if __name__ == "__main__":
    import jax
    _d = setup_inputs()
    print(jax.jit(kernel)(*tuple(_d.values())))

</pallas_src>

<mosaic_0001>
#map = affine_map<(d0, d1) -> (0, 0)>
#map1 = affine_map<(d0, d1) -> (0)>
module attributes {stable_mosaic.version = 14 : i64} {
  func.func @_sc_nmt(%arg0: i32, %arg1: i32, %arg2: memref<100000x1024xf32, #tpu.memory_space<hbm>>, %arg3: memref<1024xi32, #tpu.memory_space<hbm>>, %arg4: memref<4x1024xf32, #tpu.memory_space<hbm>>, %arg5: memref<4x1024xf32, #tpu.memory_space<hbm>>, %arg6: memref<200x128xf32, #tpu.memory_space<vmem>>, %arg7: memref<200x128xf32, #tpu.memory_space<vmem>>, %arg8: memref<128xi32, #tpu.memory_space<vmem>>, %arg9: memref<128xf32, #tpu.memory_space<vmem>>, %arg10: memref<128xf32, #tpu.memory_space<vmem>>, %arg11: memref<!tpu.dma_semaphore, #tpu.memory_space<semaphore_mem>>, %arg12: memref<!tpu.dma_semaphore, #tpu.memory_space<semaphore_mem>>) attributes {dimension_semantics = [#tpu.dimension_semantics<core_parallel>, #tpu.dimension_semantics<subcore_parallel>], iteration_bounds = array<i64: 2, 16>, scalar_prefetch = 0 : i64, scratch_operands = 7 : i64, tpu.core_type = #tpu.core_type<sc_vector_subcore>, window_params = [{transform_indices = #map}, {transform_indices = #map1}, {transform_indices = #map}, {transform_indices = #map}]} {
    %mul3A = arith.constant 2 : i32
    %mul3A_0 = arith.muli %arg1, %mul3A : i32
    %add3A = arith.addi %mul3A_0, %arg0 : i32
    %rem3A = arith.constant 4 : i32
    %rem3A_1 = arith.remsi %add3A, %rem3A : i32
    %jit3A = arith.constant 4 : i32
    %div3A = arith.divsi %add3A, %jit3A : i32
    %sign3A = arith.constant 0 : i32
    %sign3A_2 = arith.cmpi sgt, %add3A, %sign3A : i32
    %sign3A_3 = arith.extui %sign3A_2 : i1 to i32
    %sign3A_4 = arith.constant 0 : i32
    %sign3A_5 = arith.cmpi slt, %add3A, %sign3A_4 : i32
    %sign3A_6 = arith.extui %sign3A_5 : i1 to i32
    %sign3A_7 = arith.subi %sign3A_3, %sign3A_6 : i32
    %sign3A_8 = arith.constant 0 : i32
    %sign3A_9 = arith.cmpi sgt, %jit3A, %sign3A_8 : i32
    %sign3A_10 = arith.extui %sign3A_9 : i1 to i32
    %sign3A_11 = arith.constant 0 : i32
    %sign3A_12 = arith.cmpi slt, %jit3A, %sign3A_11 : i32
    %sign3A_13 = arith.extui %sign3A_12 : i1 to i32
    %sign3A_14 = arith.subi %sign3A_10, %sign3A_13 : i32
    %ne3A = arith.cmpi ne, %sign3A_7, %sign3A_14 : i32
    %rem3A_15 = arith.remsi %add3A, %jit3A : i32
    %ne3A_16 = arith.constant 0 : i32
    %ne3A_17 = arith.cmpi ne, %rem3A_15, %ne3A_16 : i32
    %and3A = arith.andi %ne3A, %ne3A_17 : i1
    %sub3A = arith.constant 1 : i32
    %sub3A_18 = arith.subi %div3A, %sub3A : i32
    %select_n3A = arith.select %and3A, %sub3A_18, %div3A : i32
    %mul3A_19 = arith.constant 8000 : i32
    %mul3A_20 = arith.muli %rem3A_1, %mul3A_19 : i32
    %add3A_21 = arith.constant 68000 : i32
    %add3A_22 = arith.addi %add3A_21, %mul3A_20 : i32
    %mul3A_23 = arith.constant 128 : i32
    %mul3A_24 = arith.muli %select_n3A, %mul3A_23 : i32
    "tpu.region"() ({
      %run_scoped3A = tpu.sem_alloc : memref<!tpu.dma_semaphore, #tpu.memory_space<semaphore_mem>>
      %dma_start3A_124 = tpu.memref_slice %arg3[%mul3A_24] : memref<1024xi32, #tpu.memory_space<hbm>> -> memref<128xi32, #tpu.memory_space<hbm>>
      %dma_start3A_125 = tpu.memref_slice %arg3[%mul3A_24] : memref<1024xi32, #tpu.memory_space<hbm>> -> memref<128xi32, #tpu.memory_space<hbm>>
      tpu.enqueue_dma source(%dma_start3A_125 : memref<128xi32, #tpu.memory_space<hbm>>) target(%arg8 : memref<128xi32, #tpu.memory_space<vmem>>) target_semaphore(%run_scoped3A : memref<!tpu.dma_semaphore, #tpu.memory_space<semaphore_mem>>)
      %dma_wait3A = tpu.memref_slice %arg3[%mul3A_24] : memref<1024xi32, #tpu.memory_space<hbm>> -> memref<128xi32, #tpu.memory_space<hbm>>
      %dma_wait3A_126 = tpu.memref_slice %arg3[%mul3A_24] : memref<1024xi32, #tpu.memory_space<hbm>> -> memref<128xi32, #tpu.memory_space<hbm>>
      tpu.wait_dma2 semaphore(%run_scoped3A : memref<!tpu.dma_semaphore, #tpu.memory_space<semaphore_mem>>) src(%dma_wait3A_126 : memref<128xi32, #tpu.memory_space<hbm>>) dst(%arg8 : memref<128xi32, #tpu.memory_space<vmem>>)
      tpu.yield
    }) : () -> ()
    %get3A = arith.constant 0 : index
    %get3A_25 = tpu.vector_load %arg8[%get3A] {strides = array<i32>} : memref<128xi32, #tpu.memory_space<vmem>>, vector<16xi32>,
    %get3A_26 = vector.shape_cast %get3A_25 : vector<16xi32> to vector<16xi32>
    %get3A_27 = arith.constant 16 : index
    %get3A_28 = tpu.vector_load %arg8[%get3A_27] {strides = array<i32>} : memref<128xi32, #tpu.memory_space<vmem>>, vector<16xi32>,
    %get3A_29 = vector.shape_cast %get3A_28 : vector<16xi32> to vector<16xi32>
    %get3A_30 = arith.constant 32 : index
    %get3A_31 = tpu.vector_load %arg8[%get3A_30] {strides = array<i32>} : memref<128xi32, #tpu.memory_space<vmem>>, vector<16xi32>,
    %get3A_32 = vector.shape_cast %get3A_31 : vector<16xi32> to vector<16xi32>
    %get3A_33 = arith.constant 48 : index
    %get3A_34 = tpu.vector_load %arg8[%get3A_33] {strides = array<i32>} : memref<128xi32, #tpu.memory_space<vmem>>, vector<16xi32>,
    %get3A_35 = vector.shape_cast %get3A_34 : vector<16xi32> to vector<16xi32>
    %get3A_36 = arith.constant 64 : index
    %get3A_37 = tpu.vector_load %arg8[%get3A_36] {strides = array<i32>} : memref<128xi32, #tpu.memory_space<vmem>>, vector<16xi32>,
    %get3A_38 = vector.shape_cast %get3A_37 : vector<16xi32> to vector<16xi32>
    %get3A_39 = arith.constant 80 : index
    %get3A_40 = tpu.vector_load %arg8[%get3A_39] {strides = array<i32>} : memref<128xi32, #tpu.memory_space<vmem>>, vector<16xi32>,
    %get3A_41 = vector.shape_cast %get3A_40 : vector<16xi32> to vector<16xi32>
    %get3A_42 = arith.constant 96 : index
    %get3A_43 = tpu.vector_load %arg8[%get3A_42] {strides = array<i32>} : memref<128xi32, #tpu.memory_space<vmem>>, vector<16xi32>,
    %get3A_44 = vector.shape_cast %get3A_43 : vector<16xi32> to vector<16xi32>
    %get3A_45 = arith.constant 112 : index
    %get3A_46 = tpu.vector_load %arg8[%get3A_45] {strides = array<i32>} : memref<128xi32, #tpu.memory_space<vmem>>, vector<16xi32>,
    %get3A_47 = vector.shape_cast %get3A_46 : vector<16xi32> to vector<16xi32>
    %add3A_48 = arith.constant 0 : i32
    %add3A_49 = arith.addi %add3A_22, %add3A_48 : i32
    %dma_start3A = tpu.memref_slice %arg2[%add3A_49, %mul3A_24] : memref<100000x1024xf32, #tpu.memory_space<hbm>> -> memref<200x128xf32, #tpu.memory_space<hbm>>
    %dma_start3A_50 = tpu.memref_slice %arg2[%add3A_49, %mul3A_24] : memref<100000x1024xf32, #tpu.memory_space<hbm>> -> memref<200x128xf32, #tpu.memory_space<hbm>>
    tpu.enqueue_dma source(%dma_start3A_50 : memref<200x128xf32, #tpu.memory_space<hbm>>) target(%arg6 : memref<200x128xf32, #tpu.memory_space<vmem>>) target_semaphore(%arg11 : memref<!tpu.dma_semaphore, #tpu.memory_space<semaphore_mem>>)
    %add3A_51 = arith.constant 200 : i32
    %add3A_52 = arith.addi %add3A_22, %add3A_51 : i32
    %dma_start3A_53 = tpu.memref_slice %arg2[%add3A_52, %mul3A_24] : memref<100000x1024xf32, #tpu.memory_space<hbm>> -> memref<200x128xf32, #tpu.memory_space<hbm>>
    %dma_start3A_54 = tpu.memref_slice %arg2[%add3A_52, %mul3A_24] : memref<100000x1024xf32, #tpu.memory_space<hbm>> -> memref<200x128xf32, #tpu.memory_space<hbm>>
    tpu.enqueue_dma source(%dma_start3A_54 : memref<200x128xf32, #tpu.memory_space<hbm>>) target(%arg7 : memref<200x128xf32, #tpu.memory_space<vmem>>) target_semaphore(%arg12 : memref<!tpu.dma_semaphore, #tpu.memory_space<semaphore_mem>>)
    %broadcast_in_dim3A = arith.constant 0.000000e+00 : f32
    %broadcast_in_dim3A_55 = vector.broadcast %broadcast_in_dim3A : f32 to vector<16xf32>
    %scan3A = arith.constant 0 : i32
    %scan3A_56 = arith.constant 20 : i32
    %scan3A_57 = arith.addi %scan3A, %scan3A_56 : i32
    %scan3A_58 = arith.constant 1 : i32
    %scan3A_59:16 = scf.for %scan3A_124 = %scan3A to %scan3A_57 step %scan3A_58 iter_args(%scan3A_125 = %broadcast_in_dim3A_55, %scan3A_126 = %broadcast_in_dim3A_55, %scan3A_127 = %broadcast_in_dim3A_55, %scan3A_128 = %broadcast_in_dim3A_55, %scan3A_129 = %broadcast_in_dim3A_55, %scan3A_130 = %broadcast_in_dim3A_55, %scan3A_131 = %broadcast_in_dim3A_55, %scan3A_132 = %broadcast_in_dim3A_55, %scan3A_133 = %broadcast_in_dim3A_55, %scan3A_134 = %broadcast_in_dim3A_55, %scan3A_135 = %broadcast_in_dim3A_55, %scan3A_136 = %broadcast_in_dim3A_55, %scan3A_137 = %broadcast_in_dim3A_55, %scan3A_138 = %broadcast_in_dim3A_55, %scan3A_139 = %broadcast_in_dim3A_55, %scan3A_140 = %broadcast_in_dim3A_55) -> (vector<16xf32>, vector<16xf32>, vector<16xf32>, vector<16xf32>, vector<16xf32>, vector<16xf32>, vector<16xf32>, vector<16xf32>, vector<16xf32>, vector<16xf32>, vector<16xf32>, vector<16xf32>, vector<16xf32>, vector<16xf32>, vector<16xf32>, vector<16xf32>)  : i32 {
      %mul3A_141 = arith.constant 2 : i32
      %mul3A_142 = arith.muli %scan3A_124, %mul3A_141 : i32
      %add3A_143 = arith.constant 0 : i32
      %add3A_144 = arith.addi %mul3A_142, %add3A_143 : i32
      %mul3A_145 = arith.constant 200 : i32
      %mul3A_146 = arith.muli %add3A_144, %mul3A_145 : i32
      %add3A_147 = arith.addi %add3A_22, %mul3A_146 : i32
      %dma_wait3A = tpu.memref_slice %arg2[%add3A_147, %mul3A_24] : memref<100000x1024xf32, #tpu.memory_space<hbm>> -> memref<200x128xf32, #tpu.memory_space<hbm>>
      %dma_wait3A_148 = tpu.memref_slice %arg2[%add3A_147, %mul3A_24] : memref<100000x1024xf32, #tpu.memory_space<hbm>> -> memref<200x128xf32, #tpu.memory_space<hbm>>
      tpu.wait_dma2 semaphore(%arg11 : memref<!tpu.dma_semaphore, #tpu.memory_space<semaphore_mem>>) src(%dma_wait3A_148 : memref<200x128xf32, #tpu.memory_space<hbm>>) dst(%arg6 : memref<200x128xf32, #tpu.memory_space<vmem>>)
      %mul3A_149 = arith.constant 200 : i32
      %mul3A_150 = arith.muli %add3A_144, %mul3A_149 : i32
      %add3A_151 = arith.addi %add3A_22, %mul3A_150 : i32
      %scan3A_152 = arith.constant 0 : i32
      %scan3A_153 = arith.constant 200 : i32
      %scan3A_154 = arith.addi %scan3A_152, %scan3A_153 : i32
      %scan3A_155 = arith.constant 1 : i32
      %scan3A_156:16 = scf.for %scan3A_187 = %scan3A_152 to %scan3A_154 step %scan3A_155 iter_args(%scan3A_188 = %scan3A_125, %scan3A_189 = %scan3A_126, %scan3A_190 = %scan3A_127, %scan3A_191 = %scan3A_128, %scan3A_192 = %scan3A_129, %scan3A_193 = %scan3A_130, %scan3A_194 = %scan3A_131, %scan3A_195 = %scan3A_132, %scan3A_196 = %scan3A_133, %scan3A_197 = %scan3A_134, %scan3A_198 = %scan3A_135, %scan3A_199 = %scan3A_136, %scan3A_200 = %scan3A_137, %scan3A_201 = %scan3A_138, %scan3A_202 = %scan3A_139, %scan3A_203 = %scan3A_140) -> (vector<16xf32>, vector<16xf32>, vector<16xf32>, vector<16xf32>, vector<16xf32>, vector<16xf32>, vector<16xf32>, vector<16xf32>, vector<16xf32>, vector<16xf32>, vector<16xf32>, vector<16xf32>, vector<16xf32>, vector<16xf32>, vector<16xf32>, vector<16xf32>)  : i32 {
        %add3A_204 = arith.addi %add3A_151, %scan3A_187 : i32
        %get3A_205 = arith.index_cast %scan3A_187 : i32 to index
        %get3A_206 = arith.constant 0 : index
        %get3A_207 = tpu.vector_load %arg6[%get3A_205, %get3A_206] {strides = array<i32>} : memref<200x128xf32, #tpu.memory_space<vmem>>, vector<1x16xf32>,
        %get3A_208 = vector.shape_cast %get3A_207 : vector<1x16xf32> to vector<16xf32>
        %add3A_209 = arith.addf %scan3A_188, %get3A_208 : vector<16xf32>
        %eq3A = vector.broadcast %add3A_204 : i32 to vector<16xi32>
        %eq3A_210 = arith.cmpi eq, %get3A_26, %eq3A : vector<16xi32>
        %jit3A_211 = arith.constant 0.000000e+00 : f32
        %broadcast_in_dim3A_212 = vector.broadcast %jit3A_211 : f32 to vector<16xf32>
        %select_n3A_213 = arith.select %eq3A_210, %get3A_208, %broadcast_in_dim3A_212 : vector<16xi1>, vector<16xf32>
        %add3A_214 = arith.addf %scan3A_196, %select_n3A_213 : vector<16xf32>
        %get3A_215 = arith.index_cast %scan3A_187 : i32 to index
        %get3A_216 = arith.constant 16 : index
        %get3A_217 = tpu.vector_load %arg6[%get3A_215, %get3A_216] {strides = array<i32>} : memref<200x128xf32, #tpu.memory_space<vmem>>, vector<1x16xf32>,
        %get3A_218 = vector.shape_cast %get3A_217 : vector<1x16xf32> to vector<16xf32>
        %add3A_219 = arith.addf %scan3A_189, %get3A_218 : vector<16xf32>
        %eq3A_220 = vector.broadcast %add3A_204 : i32 to vector<16xi32>
        %eq3A_221 = arith.cmpi eq, %get3A_29, %eq3A_220 : vector<16xi32>
        %jit3A_222 = arith.constant 0.000000e+00 : f32
        %broadcast_in_dim3A_223 = vector.broadcast %jit3A_222 : f32 to vector<16xf32>
        %select_n3A_224 = arith.select %eq3A_221, %get3A_218, %broadcast_in_dim3A_223 : vector<16xi1>, vector<16xf32>
        %add3A_225 = arith.addf %scan3A_197, %select_n3A_224 : vector<16xf32>
        %get3A_226 = arith.index_cast %scan3A_187 : i32 to index
        %get3A_227 = arith.constant 32 : index
        %get3A_228 = tpu.vector_load %arg6[%get3A_226, %get3A_227] {strides = array<i32>} : memref<200x128xf32, #tpu.memory_space<vmem>>, vector<1x16xf32>,
        %get3A_229 = vector.shape_cast %get3A_228 : vector<1x16xf32> to vector<16xf32>
        %add3A_230 = arith.addf %scan3A_190, %get3A_229 : vector<16xf32>
        %eq3A_231 = vector.broadcast %add3A_204 : i32 to vector<16xi32>
        %eq3A_232 = arith.cmpi eq, %get3A_32, %eq3A_231 : vector<16xi32>
        %jit3A_233 = arith.constant 0.000000e+00 : f32
        %broadcast_in_dim3A_234 = vector.broadcast %jit3A_233 : f32 to vector<16xf32>
        %select_n3A_235 = arith.select %eq3A_232, %get3A_229, %broadcast_in_dim3A_234 : vector<16xi1>, vector<16xf32>
        %add3A_236 = arith.addf %scan3A_198, %select_n3A_235 : vector<16xf32>
        %get3A_237 = arith.index_cast %scan3A_187 : i32 to index
        %get3A_238 = arith.constant 48 : index
        %get3A_239 = tpu.vector_load %arg6[%get3A_237, %get3A_238] {strides = array<i32>} : memref<200x128xf32, #tpu.memory_space<vmem>>, vector<1x16xf32>,
        %get3A_240 = vector.shape_cast %get3A_239 : vector<1x16xf32> to vector<16xf32>
        %add3A_241 = arith.addf %scan3A_191, %get3A_240 : vector<16xf32>
        %eq3A_242 = vector.broadcast %add3A_204 : i32 to vector<16xi32>
        %eq3A_243 = arith.cmpi eq, %get3A_35, %eq3A_242 : vector<16xi32>
        %jit3A_244 = arith.constant 0.000000e+00 : f32
        %broadcast_in_dim3A_245 = vector.broadcast %jit3A_244 : f32 to vector<16xf32>
        %select_n3A_246 = arith.select %eq3A_243, %get3A_240, %broadcast_in_dim3A_245 : vector<16xi1>, vector<16xf32>
        %add3A_247 = arith.addf %scan3A_199, %select_n3A_246 : vector<16xf32>
        %get3A_248 = arith.index_cast %scan3A_187 : i32 to index
        %get3A_249 = arith.constant 64 : index
        %get3A_250 = tpu.vector_load %arg6[%get3A_248, %get3A_249] {strides = array<i32>} : memref<200x128xf32, #tpu.memory_space<vmem>>, vector<1x16xf32>,
        %get3A_251 = vector.shape_cast %get3A_250 : vector<1x16xf32> to vector<16xf32>
        %add3A_252 = arith.addf %scan3A_192, %get3A_251 : vector<16xf32>
        %eq3A_253 = vector.broadcast %add3A_204 : i32 to vector<16xi32>
        %eq3A_254 = arith.cmpi eq, %get3A_38, %eq3A_253 : vector<16xi32>
        %jit3A_255 = arith.constant 0.000000e+00 : f32
        %broadcast_in_dim3A_256 = vector.broadcast %jit3A_255 : f32 to vector<16xf32>
        %select_n3A_257 = arith.select %eq3A_254, %get3A_251, %broadcast_in_dim3A_256 : vector<16xi1>, vector<16xf32>
        %add3A_258 = arith.addf %scan3A_200, %select_n3A_257 : vector<16xf32>
        %get3A_259 = arith.index_cast %scan3A_187 : i32 to index
        %get3A_260 = arith.constant 80 : index
        %get3A_261 = tpu.vector_load %arg6[%get3A_259, %get3A_260] {strides = array<i32>} : memref<200x128xf32, #tpu.memory_space<vmem>>, vector<1x16xf32>,
        %get3A_262 = vector.shape_cast %get3A_261 : vector<1x16xf32> to vector<16xf32>
        %add3A_263 = arith.addf %scan3A_193, %get3A_262 : vector<16xf32>
        %eq3A_264 = vector.broadcast %add3A_204 : i32 to vector<16xi32>
        %eq3A_265 = arith.cmpi eq, %get3A_41, %eq3A_264 : vector<16xi32>
        %jit3A_266 = arith.constant 0.000000e+00 : f32
        %broadcast_in_dim3A_267 = vector.broadcast %jit3A_266 : f32 to vector<16xf32>
        %select_n3A_268 = arith.select %eq3A_265, %get3A_262, %broadcast_in_dim3A_267 : vector<16xi1>, vector<16xf32>
        %add3A_269 = arith.addf %scan3A_201, %select_n3A_268 : vector<16xf32>
        %get3A_270 = arith.index_cast %scan3A_187 : i32 to index
        %get3A_271 = arith.constant 96 : index
        %get3A_272 = tpu.vector_load %arg6[%get3A_270, %get3A_271] {strides = array<i32>} : memref<200x128xf32, #tpu.memory_space<vmem>>, vector<1x16xf32>,
        %get3A_273 = vector.shape_cast %get3A_272 : vector<1x16xf32> to vector<16xf32>
        %add3A_274 = arith.addf %scan3A_194, %get3A_273 : vector<16xf32>
        %eq3A_275 = vector.broadcast %add3A_204 : i32 to vector<16xi32>
        %eq3A_276 = arith.cmpi eq, %get3A_44, %eq3A_275 : vector<16xi32>
        %jit3A_277 = arith.constant 0.000000e+00 : f32
        %broadcast_in_dim3A_278 = vector.broadcast %jit3A_277 : f32 to vector<16xf32>
        %select_n3A_279 = arith.select %eq3A_276, %get3A_273, %broadcast_in_dim3A_278 : vector<16xi1>, vector<16xf32>
        %add3A_280 = arith.addf %scan3A_202, %select_n3A_279 : vector<16xf32>
        %get3A_281 = arith.index_cast %scan3A_187 : i32 to index
        %get3A_282 = arith.constant 112 : index
        %get3A_283 = tpu.vector_load %arg6[%get3A_281, %get3A_282] {strides = array<i32>} : memref<200x128xf32, #tpu.memory_space<vmem>>, vector<1x16xf32>,
        %get3A_284 = vector.shape_cast %get3A_283 : vector<1x16xf32> to vector<16xf32>
        %add3A_285 = arith.addf %scan3A_195, %get3A_284 : vector<16xf32>
        %eq3A_286 = vector.broadcast %add3A_204 : i32 to vector<16xi32>
        %eq3A_287 = arith.cmpi eq, %get3A_47, %eq3A_286 : vector<16xi32>
        %jit3A_288 = arith.constant 0.000000e+00 : f32
        %broadcast_in_dim3A_289 = vector.broadcast %jit3A_288 : f32 to vector<16xf32>
        %select_n3A_290 = arith.select %eq3A_287, %get3A_284, %broadcast_in_dim3A_289 : vector<16xi1>, vector<16xf32>
        %add3A_291 = arith.addf %scan3A_203, %select_n3A_290 : vector<16xf32>
        scf.yield %add3A_209, %add3A_219, %add3A_230, %add3A_241, %add3A_252, %add3A_263, %add3A_274, %add3A_285, %add3A_214, %add3A_225, %add3A_236, %add3A_247, %add3A_258, %add3A_269, %add3A_280, %add3A_291 : vector<16xf32>, vector<16xf32>, vector<16xf32>, vector<16xf32>, vector<16xf32>, vector<16xf32>, vector<16xf32>, vector<16xf32>, vector<16xf32>, vector<16xf32>, vector<16xf32>, vector<16xf32>, vector<16xf32>, vector<16xf32>, vector<16xf32>, vector<16xf32>
      }
      %scan3A_157 = arith.constant 200 : i32
      %add3A_158 = arith.constant 2 : i32
      %add3A_159 = arith.addi %add3A_144, %add3A_158 : i32
      %lt3A = arith.constant 40 : i32
      %lt3A_160 = arith.cmpi slt, %add3A_159, %lt3A : i32
      %convert_element_type3A = arith.extui %lt3A_160 : i1 to i32
      %cond3A = arith.constant 0 : i32
      %cond3A_161 = arith.cmpi ne, %convert_element_type3A, %cond3A : i32
      scf.if %cond3A_161 {
        %add3A_187 = arith.constant 2 : i32
        %add3A_188 = arith.addi %add3A_144, %add3A_187 : i32
        %mul3A_189 = arith.constant 200 : i32
        %mul3A_190 = arith.muli %add3A_188, %mul3A_189 : i32
        %add3A_191 = arith.addi %add3A_22, %mul3A_190 : i32
        %dma_start3A_192 = tpu.memref_slice %arg2[%add3A_191, %mul3A_24] : memref<100000x1024xf32, #tpu.memory_space<hbm>> -> memref<200x128xf32, #tpu.memory_space<hbm>>
        %dma_start3A_193 = tpu.memref_slice %arg2[%add3A_191, %mul3A_24] : memref<100000x1024xf32, #tpu.memory_space<hbm>> -> memref<200x128xf32, #tpu.memory_space<hbm>>
        tpu.enqueue_dma source(%dma_start3A_193 : memref<200x128xf32, #tpu.memory_space<hbm>>) target(%arg6 : memref<200x128xf32, #tpu.memory_space<vmem>>) target_semaphore(%arg11 : memref<!tpu.dma_semaphore, #tpu.memory_space<semaphore_mem>>)
      } else {
      }
      %mul3A_162 = arith.constant 2 : i32
      %mul3A_163 = arith.muli %scan3A_124, %mul3A_162 : i32
      %add3A_164 = arith.constant 1 : i32
      %add3A_165 = arith.addi %mul3A_163, %add3A_164 : i32
      %mul3A_166 = arith.constant 200 : i32
      %mul3A_167 = arith.muli %add3A_165, %mul3A_166 : i32
      %add3A_168 = arith.addi %add3A_22, %mul3A_167 : i32
      %dma_wait3A_169 = tpu.memref_slice %arg2[%add3A_168, %mul3A_24] : memref<100000x1024xf32, #tpu.memory_space<hbm>> -> memref<200x128xf32, #tpu.memory_space<hbm>>
      %dma_wait3A_170 = tpu.memref_slice %arg2[%add3A_168, %mul3A_24] : memref<100000x1024xf32, #tpu.memory_space<hbm>> -> memref<200x128xf32, #tpu.memory_space<hbm>>
      tpu.wait_dma2 semaphore(%arg12 : memref<!tpu.dma_semaphore, #tpu.memory_space<semaphore_mem>>) src(%dma_wait3A_170 : memref<200x128xf32, #tpu.memory_space<hbm>>) dst(%arg7 : memref<200x128xf32, #tpu.memory_space<vmem>>)
      %mul3A_171 = arith.constant 200 : i32
      %mul3A_172 = arith.muli %add3A_165, %mul3A_171 : i32
      %add3A_173 = arith.addi %add3A_22, %mul3A_172 : i32
      %scan3A_174 = arith.constant 0 : i32
      %scan3A_175 = arith.constant 200 : i32
      %scan3A_176 = arith.addi %scan3A_174, %scan3A_175 : i32
      %scan3A_177 = arith.constant 1 : i32
      %scan3A_178:16 = scf.for %scan3A_187 = %scan3A_174 to %scan3A_176 step %scan3A_177 iter_args(%scan3A_188 = %scan3A_156#0, %scan3A_189 = %scan3A_156#1, %scan3A_190 = %scan3A_156#2, %scan3A_191 = %scan3A_156#3, %scan3A_192 = %scan3A_156#4, %scan3A_193 = %scan3A_156#5, %scan3A_194 = %scan3A_156#6, %scan3A_195 = %scan3A_156#7, %scan3A_196 = %scan3A_156#8, %scan3A_197 = %scan3A_156#9, %scan3A_198 = %scan3A_156#10, %scan3A_199 = %scan3A_156#11, %scan3A_200 = %scan3A_156#12, %scan3A_201 = %scan3A_156#13, %scan3A_202 = %scan3A_156#14, %scan3A_203 = %scan3A_156#15) -> (vector<16xf32>, vector<16xf32>, vector<16xf32>, vector<16xf32>, vector<16xf32>, vector<16xf32>, vector<16xf32>, vector<16xf32>, vector<16xf32>, vector<16xf32>, vector<16xf32>, vector<16xf32>, vector<16xf32>, vector<16xf32>, vector<16xf32>, vector<16xf32>)  : i32 {
        %add3A_204 = arith.addi %add3A_173, %scan3A_187 : i32
        %get3A_205 = arith.index_cast %scan3A_187 : i32 to index
        %get3A_206 = arith.constant 0 : index
        %get3A_207 = tpu.vector_load %arg7[%get3A_205, %get3A_206] {strides = array<i32>} : memref<200x128xf32, #tpu.memory_space<vmem>>, vector<1x16xf32>,
        %get3A_208 = vector.shape_cast %get3A_207 : vector<1x16xf32> to vector<16xf32>
        %add3A_209 = arith.addf %scan3A_188, %get3A_208 : vector<16xf32>
        %eq3A = vector.broadcast %add3A_204 : i32 to vector<16xi32>
        %eq3A_210 = arith.cmpi eq, %get3A_26, %eq3A : vector<16xi32>
        %jit3A_211 = arith.constant 0.000000e+00 : f32
        %broadcast_in_dim3A_212 = vector.broadcast %jit3A_211 : f32 to vector<16xf32>
        %select_n3A_213 = arith.select %eq3A_210, %get3A_208, %broadcast_in_dim3A_212 : vector<16xi1>, vector<16xf32>
        %add3A_214 = arith.addf %scan3A_196, %select_n3A_213 : vector<16xf32>
        %get3A_215 = arith.index_cast %scan3A_187 : i32 to index
        %get3A_216 = arith.constant 16 : index
        %get3A_217 = tpu.vector_load %arg7[%get3A_215, %get3A_216] {strides = array<i32>} : memref<200x128xf32, #tpu.memory_space<vmem>>, vector<1x16xf32>,
        %get3A_218 = vector.shape_cast %get3A_217 : vector<1x16xf32> to vector<16xf32>
        %add3A_219 = arith.addf %scan3A_189, %get3A_218 : vector<16xf32>
        %eq3A_220 = vector.broadcast %add3A_204 : i32 to vector<16xi32>
        %eq3A_221 = arith.cmpi eq, %get3A_29, %eq3A_220 : vector<16xi32>
        %jit3A_222 = arith.constant 0.000000e+00 : f32
        %broadcast_in_dim3A_223 = vector.broadcast %jit3A_222 : f32 to vector<16xf32>
        %select_n3A_224 = arith.select %eq3A_221, %get3A_218, %broadcast_in_dim3A_223 : vector<16xi1>, vector<16xf32>
        %add3A_225 = arith.addf %scan3A_197, %select_n3A_224 : vector<16xf32>
        %get3A_226 = arith.index_cast %scan3A_187 : i32 to index
        %get3A_227 = arith.constant 32 : index
        %get3A_228 = tpu.vector_load %arg7[%get3A_226, %get3A_227] {strides = array<i32>} : memref<200x128xf32, #tpu.memory_space<vmem>>, vector<1x16xf32>,
        %get3A_229 = vector.shape_cast %get3A_228 : vector<1x16xf32> to vector<16xf32>
        %add3A_230 = arith.addf %scan3A_190, %get3A_229 : vector<16xf32>
        %eq3A_231 = vector.broadcast %add3A_204 : i32 to vector<16xi32>
        %eq3A_232 = arith.cmpi eq, %get3A_32, %eq3A_231 : vector<16xi32>
        %jit3A_233 = arith.constant 0.000000e+00 : f32
        %broadcast_in_dim3A_234 = vector.broadcast %jit3A_233 : f32 to vector<16xf32>
        %select_n3A_235 = arith.select %eq3A_232, %get3A_229, %broadcast_in_dim3A_234 : vector<16xi1>, vector<16xf32>
        %add3A_236 = arith.addf %scan3A_198, %select_n3A_235 : vector<16xf32>
        %get3A_237 = arith.index_cast %scan3A_187 : i32 to index
        %get3A_238 = arith.constant 48 : index
        %get3A_239 = tpu.vector_load %arg7[%get3A_237, %get3A_238] {strides = array<i32>} : memref<200x128xf32, #tpu.memory_space<vmem>>, vector<1x16xf32>,
        %get3A_240 = vector.shape_cast %get3A_239 : vector<1x16xf32> to vector<16xf32>
        %add3A_241 = arith.addf %scan3A_191, %get3A_240 : vector<16xf32>
        %eq3A_242 = vector.broadcast %add3A_204 : i32 to vector<16xi32>
        %eq3A_243 = arith.cmpi eq, %get3A_35, %eq3A_242 : vector<16xi32>
        %jit3A_244 = arith.constant 0.000000e+00 : f32
        %broadcast_in_dim3A_245 = vector.broadcast %jit3A_244 : f32 to vector<16xf32>
        %select_n3A_246 = arith.select %eq3A_243, %get3A_240, %broadcast_in_dim3A_245 : vector<16xi1>, vector<16xf32>
        %add3A_247 = arith.addf %scan3A_199, %select_n3A_246 : vector<16xf32>
        %get3A_248 = arith.index_cast %scan3A_187 : i32 to index
        %get3A_249 = arith.constant 64 : index
        %get3A_250 = tpu.vector_load %arg7[%get3A_248, %get3A_249] {strides = array<i32>} : memref<200x128xf32, #tpu.memory_space<vmem>>, vector<1x16xf32>,
        %get3A_251 = vector.shape_cast %get3A_250 : vector<1x16xf32> to vector<16xf32>
        %add3A_252 = arith.addf %scan3A_192, %get3A_251 : vector<16xf32>
        %eq3A_253 = vector.broadcast %add3A_204 : i32 to vector<16xi32>
        %eq3A_254 = arith.cmpi eq, %get3A_38, %eq3A_253 : vector<16xi32>
        %jit3A_255 = arith.constant 0.000000e+00 : f32
        %broadcast_in_dim3A_256 = vector.broadcast %jit3A_255 : f32 to vector<16xf32>
        %select_n3A_257 = arith.select %eq3A_254, %get3A_251, %broadcast_in_dim3A_256 : vector<16xi1>, vector<16xf32>
        %add3A_258 = arith.addf %scan3A_200, %select_n3A_257 : vector<16xf32>
        %get3A_259 = arith.index_cast %scan3A_187 : i32 to index
        %get3A_260 = arith.constant 80 : index
        %get3A_261 = tpu.vector_load %arg7[%get3A_259, %get3A_260] {strides = array<i32>} : memref<200x128xf32, #tpu.memory_space<vmem>>, vector<1x16xf32>,
        %get3A_262 = vector.shape_cast %get3A_261 : vector<1x16xf32> to vector<16xf32>
        %add3A_263 = arith.addf %scan3A_193, %get3A_262 : vector<16xf32>
        %eq3A_264 = vector.broadcast %add3A_204 : i32 to vector<16xi32>
        %eq3A_265 = arith.cmpi eq, %get3A_41, %eq3A_264 : vector<16xi32>
        %jit3A_266 = arith.constant 0.000000e+00 : f32
        %broadcast_in_dim3A_267 = vector.broadcast %jit3A_266 : f32 to vector<16xf32>
        %select_n3A_268 = arith.select %eq3A_265, %get3A_262, %broadcast_in_dim3A_267 : vector<16xi1>, vector<16xf32>
        %add3A_269 = arith.addf %scan3A_201, %select_n3A_268 : vector<16xf32>
        %get3A_270 = arith.index_cast %scan3A_187 : i32 to index
        %get3A_271 = arith.constant 96 : index
        %get3A_272 = tpu.vector_load %arg7[%get3A_270, %get3A_271] {strides = array<i32>} : memref<200x128xf32, #tpu.memory_space<vmem>>, vector<1x16xf32>,
        %get3A_273 = vector.shape_cast %get3A_272 : vector<1x16xf32> to vector<16xf32>
        %add3A_274 = arith.addf %scan3A_194, %get3A_273 : vector<16xf32>
        %eq3A_275 = vector.broadcast %add3A_204 : i32 to vector<16xi32>
        %eq3A_276 = arith.cmpi eq, %get3A_44, %eq3A_275 : vector<16xi32>
        %jit3A_277 = arith.constant 0.000000e+00 : f32
        %broadcast_in_dim3A_278 = vector.broadcast %jit3A_277 : f32 to vector<16xf32>
        %select_n3A_279 = arith.select %eq3A_276, %get3A_273, %broadcast_in_dim3A_278 : vector<16xi1>, vector<16xf32>
        %add3A_280 = arith.addf %scan3A_202, %select_n3A_279 : vector<16xf32>
        %get3A_281 = arith.index_cast %scan3A_187 : i32 to index
        %get3A_282 = arith.constant 112 : index
        %get3A_283 = tpu.vector_load %arg7[%get3A_281, %get3A_282] {strides = array<i32>} : memref<200x128xf32, #tpu.memory_space<vmem>>, vector<1x16xf32>,
        %get3A_284 = vector.shape_cast %get3A_283 : vector<1x16xf32> to vector<16xf32>
        %add3A_285 = arith.addf %scan3A_195, %get3A_284 : vector<16xf32>
        %eq3A_286 = vector.broadcast %add3A_204 : i32 to vector<16xi32>
        %eq3A_287 = arith.cmpi eq, %get3A_47, %eq3A_286 : vector<16xi32>
        %jit3A_288 = arith.constant 0.000000e+00 : f32
        %broadcast_in_dim3A_289 = vector.broadcast %jit3A_288 : f32 to vector<16xf32>
        %select_n3A_290 = arith.select %eq3A_287, %get3A_284, %broadcast_in_dim3A_289 : vector<16xi1>, vector<16xf32>
        %add3A_291 = arith.addf %scan3A_203, %select_n3A_290 : vector<16xf32>
        scf.yield %add3A_209, %add3A_219, %add3A_230, %add3A_241, %add3A_252, %add3A_263, %add3A_274, %add3A_285, %add3A_214, %add3A_225, %add3A_236, %add3A_247, %add3A_258, %add3A_269, %add3A_280, %add3A_291 : vector<16xf32>, vector<16xf32>, vector<16xf32>, vector<16xf32>, vector<16xf32>, vector<16xf32>, vector<16xf32>, vector<16xf32>, vector<16xf32>, vector<16xf32>, vector<16xf32>, vector<16xf32>, vector<16xf32>, vector<16xf32>, vector<16xf32>, vector<16xf32>
      }
      %scan3A_179 = arith.constant 200 : i32
      %add3A_180 = arith.constant 2 : i32
      %add3A_181 = arith.addi %add3A_165, %add3A_180 : i32
      %lt3A_182 = arith.constant 40 : i32
      %lt3A_183 = arith.cmpi slt, %add3A_181, %lt3A_182 : i32
      %convert_element_type3A_184 = arith.extui %lt3A_183 : i1 to i32
      %cond3A_185 = arith.constant 0 : i32
      %cond3A_186 = arith.cmpi ne, %convert_element_type3A_184, %cond3A_185 : i32
      scf.if %cond3A_186 {
        %add3A_187 = arith.constant 2 : i32
        %add3A_188 = arith.addi %add3A_165, %add3A_187 : i32
        %mul3A_189 = arith.constant 200 : i32
        %mul3A_190 = arith.muli %add3A_188, %mul3A_189 : i32
        %add3A_191 = arith.addi %add3A_22, %mul3A_190 : i32
        %dma_start3A_192 = tpu.memref_slice %arg2[%add3A_191, %mul3A_24] : memref<100000x1024xf32, #tpu.memory_space<hbm>> -> memref<200x128xf32, #tpu.memory_space<hbm>>
        %dma_start3A_193 = tpu.memref_slice %arg2[%add3A_191, %mul3A_24] : memref<100000x1024xf32, #tpu.memory_space<hbm>> -> memref<200x128xf32, #tpu.memory_space<hbm>>
        tpu.enqueue_dma source(%dma_start3A_193 : memref<200x128xf32, #tpu.memory_space<hbm>>) target(%arg7 : memref<200x128xf32, #tpu.memory_space<vmem>>) target_semaphore(%arg12 : memref<!tpu.dma_semaphore, #tpu.memory_space<semaphore_mem>>)
      } else {
      }
      scf.yield %scan3A_178#0, %scan3A_178#1, %scan3A_178#2, %scan3A_178#3, %scan3A_178#4, %scan3A_178#5, %scan3A_178#6, %scan3A_178#7, %scan3A_178#8, %scan3A_178#9, %scan3A_178#10, %scan3A_178#11, %scan3A_178#12, %scan3A_178#13, %scan3A_178#14, %scan3A_178#15 : vector<16xf32>, vector<16xf32>, vector<16xf32>, vector<16xf32>, vector<16xf32>, vector<16xf32>, vector<16xf32>, vector<16xf32>, vector<16xf32>, vector<16xf32>, vector<16xf32>, vector<16xf32>, vector<16xf32>, vector<16xf32>, vector<16xf32>, vector<16xf32>
    }
    %scan3A_60 = arith.constant 20 : i32
    %swap3A = arith.constant 0 : index
    %swap3A_61 = tpu.vector_load %arg9[%swap3A] {strides = array<i32>} : memref<128xf32, #tpu.memory_space<vmem>>, vector<16xf32>,
    %swap3A_62 = vector.shape_cast %swap3A_61 : vector<16xf32> to vector<16xf32>
    %swap3A_63 = vector.shape_cast %scan3A_59#0 : vector<16xf32> to vector<16xf32>
    tpu.vector_store %arg9[%swap3A], %swap3A_63 {strides = array<i32>} : memref<128xf32, #tpu.memory_space<vmem>>, vector<16xf32>,
    %swap3A_64 = arith.constant 0 : index
    %swap3A_65 = tpu.vector_load %arg10[%swap3A_64] {strides = array<i32>} : memref<128xf32, #tpu.memory_space<vmem>>, vector<16xf32>,
    %swap3A_66 = vector.shape_cast %swap3A_65 : vector<16xf32> to vector<16xf32>
    %swap3A_67 = vector.shape_cast %scan3A_59#8 : vector<16xf32> to vector<16xf32>
    tpu.vector_store %arg10[%swap3A_64], %swap3A_67 {strides = array<i32>} : memref<128xf32, #tpu.memory_space<vmem>>, vector<16xf32>,
    %swap3A_68 = arith.constant 16 : index
    %swap3A_69 = tpu.vector_load %arg9[%swap3A_68] {strides = array<i32>} : memref<128xf32, #tpu.memory_space<vmem>>, vector<16xf32>,
    %swap3A_70 = vector.shape_cast %swap3A_69 : vector<16xf32> to vector<16xf32>
    %swap3A_71 = vector.shape_cast %scan3A_59#1 : vector<16xf32> to vector<16xf32>
    tpu.vector_store %arg9[%swap3A_68], %swap3A_71 {strides = array<i32>} : memref<128xf32, #tpu.memory_space<vmem>>, vector<16xf32>,
    %swap3A_72 = arith.constant 16 : index
    %swap3A_73 = tpu.vector_load %arg10[%swap3A_72] {strides = array<i32>} : memref<128xf32, #tpu.memory_space<vmem>>, vector<16xf32>,
    %swap3A_74 = vector.shape_cast %swap3A_73 : vector<16xf32> to vector<16xf32>
    %swap3A_75 = vector.shape_cast %scan3A_59#9 : vector<16xf32> to vector<16xf32>
    tpu.vector_store %arg10[%swap3A_72], %swap3A_75 {strides = array<i32>} : memref<128xf32, #tpu.memory_space<vmem>>, vector<16xf32>,
    %swap3A_76 = arith.constant 32 : index
    %swap3A_77 = tpu.vector_load %arg9[%swap3A_76] {strides = array<i32>} : memref<128xf32, #tpu.memory_space<vmem>>, vector<16xf32>,
    %swap3A_78 = vector.shape_cast %swap3A_77 : vector<16xf32> to vector<16xf32>
    %swap3A_79 = vector.shape_cast %scan3A_59#2 : vector<16xf32> to vector<16xf32>
    tpu.vector_store %arg9[%swap3A_76], %swap3A_79 {strides = array<i32>} : memref<128xf32, #tpu.memory_space<vmem>>, vector<16xf32>,
    %swap3A_80 = arith.constant 32 : index
    %swap3A_81 = tpu.vector_load %arg10[%swap3A_80] {strides = array<i32>} : memref<128xf32, #tpu.memory_space<vmem>>, vector<16xf32>,
    %swap3A_82 = vector.shape_cast %swap3A_81 : vector<16xf32> to vector<16xf32>
    %swap3A_83 = vector.shape_cast %scan3A_59#10 : vector<16xf32> to vector<16xf32>
    tpu.vector_store %arg10[%swap3A_80], %swap3A_83 {strides = array<i32>} : memref<128xf32, #tpu.memory_space<vmem>>, vector<16xf32>,
    %swap3A_84 = arith.constant 48 : index
    %swap3A_85 = tpu.vector_load %arg9[%swap3A_84] {strides = array<i32>} : memref<128xf32, #tpu.memory_space<vmem>>, vector<16xf32>,
    %swap3A_86 = vector.shape_cast %swap3A_85 : vector<16xf32> to vector<16xf32>
    %swap3A_87 = vector.shape_cast %scan3A_59#3 : vector<16xf32> to vector<16xf32>
    tpu.vector_store %arg9[%swap3A_84], %swap3A_87 {strides = array<i32>} : memref<128xf32, #tpu.memory_space<vmem>>, vector<16xf32>,
    %swap3A_88 = arith.constant 48 : index
    %swap3A_89 = tpu.vector_load %arg10[%swap3A_88] {strides = array<i32>} : memref<128xf32, #tpu.memory_space<vmem>>, vector<16xf32>,
    %swap3A_90 = vector.shape_cast %swap3A_89 : vector<16xf32> to vector<16xf32>
    %swap3A_91 = vector.shape_cast %scan3A_59#11 : vector<16xf32> to vector<16xf32>
    tpu.vector_store %arg10[%swap3A_88], %swap3A_91 {strides = array<i32>} : memref<128xf32, #tpu.memory_space<vmem>>, vector<16xf32>,
    %swap3A_92 = arith.constant 64 : index
    %swap3A_93 = tpu.vector_load %arg9[%swap3A_92] {strides = array<i32>} : memref<128xf32, #tpu.memory_space<vmem>>, vector<16xf32>,
    %swap3A_94 = vector.shape_cast %swap3A_93 : vector<16xf32> to vector<16xf32>
    %swap3A_95 = vector.shape_cast %scan3A_59#4 : vector<16xf32> to vector<16xf32>
    tpu.vector_store %arg9[%swap3A_92], %swap3A_95 {strides = array<i32>} : memref<128xf32, #tpu.memory_space<vmem>>, vector<16xf32>,
    %swap3A_96 = arith.constant 64 : index
    %swap3A_97 = tpu.vector_load %arg10[%swap3A_96] {strides = array<i32>} : memref<128xf32, #tpu.memory_space<vmem>>, vector<16xf32>,
    %swap3A_98 = vector.shape_cast %swap3A_97 : vector<16xf32> to vector<16xf32>
    %swap3A_99 = vector.shape_cast %scan3A_59#12 : vector<16xf32> to vector<16xf32>
    tpu.vector_store %arg10[%swap3A_96], %swap3A_99 {strides = array<i32>} : memref<128xf32, #tpu.memory_space<vmem>>, vector<16xf32>,
    %swap3A_100 = arith.constant 80 : index
    %swap3A_101 = tpu.vector_load %arg9[%swap3A_100] {strides = array<i32>} : memref<128xf32, #tpu.memory_space<vmem>>, vector<16xf32>,
    %swap3A_102 = vector.shape_cast %swap3A_101 : vector<16xf32> to vector<16xf32>
    %swap3A_103 = vector.shape_cast %scan3A_59#5 : vector<16xf32> to vector<16xf32>
    tpu.vector_store %arg9[%swap3A_100], %swap3A_103 {strides = array<i32>} : memref<128xf32, #tpu.memory_space<vmem>>, vector<16xf32>,
    %swap3A_104 = arith.constant 80 : index
    %swap3A_105 = tpu.vector_load %arg10[%swap3A_104] {strides = array<i32>} : memref<128xf32, #tpu.memory_space<vmem>>, vector<16xf32>,
    %swap3A_106 = vector.shape_cast %swap3A_105 : vector<16xf32> to vector<16xf32>
    %swap3A_107 = vector.shape_cast %scan3A_59#13 : vector<16xf32> to vector<16xf32>
    tpu.vector_store %arg10[%swap3A_104], %swap3A_107 {strides = array<i32>} : memref<128xf32, #tpu.memory_space<vmem>>, vector<16xf32>,
    %swap3A_108 = arith.constant 96 : index
    %swap3A_109 = tpu.vector_load %arg9[%swap3A_108] {strides = array<i32>} : memref<128xf32, #tpu.memory_space<vmem>>, vector<16xf32>,
    %swap3A_110 = vector.shape_cast %swap3A_109 : vector<16xf32> to vector<16xf32>
    %swap3A_111 = vector.shape_cast %scan3A_59#6 : vector<16xf32> to vector<16xf32>
    tpu.vector_store %arg9[%swap3A_108], %swap3A_111 {strides = array<i32>} : memref<128xf32, #tpu.memory_space<vmem>>, vector<16xf32>,
    %swap3A_112 = arith.constant 96 : index
    %swap3A_113 = tpu.vector_load %arg10[%swap3A_112] {strides = array<i32>} : memref<128xf32, #tpu.memory_space<vmem>>, vector<16xf32>,
    %swap3A_114 = vector.shape_cast %swap3A_113 : vector<16xf32> to vector<16xf32>
    %swap3A_115 = vector.shape_cast %scan3A_59#14 : vector<16xf32> to vector<16xf32>
    tpu.vector_store %arg10[%swap3A_112], %swap3A_115 {strides = array<i32>} : memref<128xf32, #tpu.memory_space<vmem>>, vector<16xf32>,
    %swap3A_116 = arith.constant 112 : index
    %swap3A_117 = tpu.vector_load %arg9[%swap3A_116] {strides = array<i32>} : memref<128xf32, #tpu.memory_space<vmem>>, vector<16xf32>,
    %swap3A_118 = vector.shape_cast %swap3A_117 : vector<16xf32> to vector<16xf32>
    %swap3A_119 = vector.shape_cast %scan3A_59#7 : vector<16xf32> to vector<16xf32>
    tpu.vector_store %arg9[%swap3A_116], %swap3A_119 {strides = array<i32>} : memref<128xf32, #tpu.memory_space<vmem>>, vector<16xf32>,
    %swap3A_120 = arith.constant 112 : index
    %swap3A_121 = tpu.vector_load %arg10[%swap3A_120] {strides = array<i32>} : memref<128xf32, #tpu.memory_space<vmem>>, vector<16xf32>,
    %swap3A_122 = vector.shape_cast %swap3A_121 : vector<16xf32> to vector<16xf32>
    %swap3A_123 = vector.shape_cast %scan3A_59#15 : vector<16xf32> to vector<16xf32>
    tpu.vector_store %arg10[%swap3A_120], %swap3A_123 {strides = array<i32>} : memref<128xf32, #tpu.memory_space<vmem>>, vector<16xf32>,
    "tpu.region"() ({
      %run_scoped3A = tpu.sem_alloc : memref<!tpu.dma_semaphore, #tpu.memory_space<semaphore_mem>>
      %dma_start3A_124 = tpu.memref_slice %arg4[%rem3A_1, %mul3A_24] : memref<4x1024xf32, #tpu.memory_space<hbm>> -> memref<1x128xf32, #tpu.memory_space<hbm>>
      %dma_start3A_125 = tpu.memref_squeeze %dma_start3A_124 : memref<1x128xf32, #tpu.memory_space<hbm>> -> memref<128xf32, #tpu.memory_space<hbm>>
      %dma_start3A_126 = tpu.memref_slice %arg4[%rem3A_1, %mul3A_24] : memref<4x1024xf32, #tpu.memory_space<hbm>> -> memref<1x128xf32, #tpu.memory_space<hbm>>
      %dma_start3A_127 = tpu.memref_squeeze %dma_start3A_126 : memref<1x128xf32, #tpu.memory_space<hbm>> -> memref<128xf32, #tpu.memory_space<hbm>>
      tpu.enqueue_dma source(%arg9 : memref<128xf32, #tpu.memory_space<vmem>>) target(%dma_start3A_127 : memref<128xf32, #tpu.memory_space<hbm>>) target_semaphore(%run_scoped3A : memref<!tpu.dma_semaphore, #tpu.memory_space<semaphore_mem>>)
      %dma_wait3A = tpu.memref_slice %arg4[%rem3A_1, %mul3A_24] : memref<4x1024xf32, #tpu.memory_space<hbm>> -> memref<1x128xf32, #tpu.memory_space<hbm>>
      %dma_wait3A_128 = tpu.memref_squeeze %dma_wait3A : memref<1x128xf32, #tpu.memory_space<hbm>> -> memref<128xf32, #tpu.memory_space<hbm>>
      %dma_wait3A_129 = tpu.memref_slice %arg4[%rem3A_1, %mul3A_24] : memref<4x1024xf32, #tpu.memory_space<hbm>> -> memref<1x128xf32, #tpu.memory_space<hbm>>
      %dma_wait3A_130 = tpu.memref_squeeze %dma_wait3A_129 : memref<1x128xf32, #tpu.memory_space<hbm>> -> memref<128xf32, #tpu.memory_space<hbm>>
      tpu.wait_dma2 semaphore(%run_scoped3A : memref<!tpu.dma_semaphore, #tpu.memory_space<semaphore_mem>>) src(%arg9 : memref<128xf32, #tpu.memory_space<vmem>>) dst(%dma_wait3A_130 : memref<128xf32, #tpu.memory_space<hbm>>)
      tpu.yield
    }) : () -> ()
    "tpu.region"() ({
      %run_scoped3A = tpu.sem_alloc : memref<!tpu.dma_semaphore, #tpu.memory_space<semaphore_mem>>
      %dma_start3A_124 = tpu.memref_slice %arg5[%rem3A_1, %mul3A_24] : memref<4x1024xf32, #tpu.memory_space<hbm>> -> memref<1x128xf32, #tpu.memory_space<hbm>>
      %dma_start3A_125 = tpu.memref_squeeze %dma_start3A_124 : memref<1x128xf32, #tpu.memory_space<hbm>> -> memref<128xf32, #tpu.memory_space<hbm>>
      %dma_start3A_126 = tpu.memref_slice %arg5[%rem3A_1, %mul3A_24] : memref<4x1024xf32, #tpu.memory_space<hbm>> -> memref<1x128xf32, #tpu.memory_space<hbm>>
      %dma_start3A_127 = tpu.memref_squeeze %dma_start3A_126 : memref<1x128xf32, #tpu.memory_space<hbm>> -> memref<128xf32, #tpu.memory_space<hbm>>
      tpu.enqueue_dma source(%arg10 : memref<128xf32, #tpu.memory_space<vmem>>) target(%dma_start3A_127 : memref<128xf32, #tpu.memory_space<hbm>>) target_semaphore(%run_scoped3A : memref<!tpu.dma_semaphore, #tpu.memory_space<semaphore_mem>>)
      %dma_wait3A = tpu.memref_slice %arg5[%rem3A_1, %mul3A_24] : memref<4x1024xf32, #tpu.memory_space<hbm>> -> memref<1x128xf32, #tpu.memory_space<hbm>>
      %dma_wait3A_128 = tpu.memref_squeeze %dma_wait3A : memref<1x128xf32, #tpu.memory_space<hbm>> -> memref<128xf32, #tpu.memory_space<hbm>>
      %dma_wait3A_129 = tpu.memref_slice %arg5[%rem3A_1, %mul3A_24] : memref<4x1024xf32, #tpu.memory_space<hbm>> -> memref<1x128xf32, #tpu.memory_space<hbm>>
      %dma_wait3A_130 = tpu.memref_squeeze %dma_wait3A_129 : memref<1x128xf32, #tpu.memory_space<hbm>> -> memref<128xf32, #tpu.memory_space<hbm>>
      tpu.wait_dma2 semaphore(%run_scoped3A : memref<!tpu.dma_semaphore, #tpu.memory_space<semaphore_mem>>) src(%arg10 : memref<128xf32, #tpu.memory_space<vmem>>) dst(%dma_wait3A_130 : memref<128xf32, #tpu.memory_space<hbm>>)
      tpu.yield
    }) : () -> ()
    return
  }
}

module attributes {stable_mosaic.version = 14 : i64} {
  func.func @_combine_body(%arg0: memref<1x1024xf32, #tpu.memory_space<vmem>>, %arg1: memref<1x1024xf32, #tpu.memory_space<vmem>>, %arg2: memref<4x1024xf32, #tpu.memory_space<vmem>>, %arg3: memref<4x1024xf32, #tpu.memory_space<vmem>>, %arg4: memref<1x1024xf32, #tpu.memory_space<vmem>>) attributes {dimension_semantics = [], scalar_prefetch = 0 : i64, scratch_operands = 0 : i64, tpu.core_type = #tpu.core_type<tc>} {
    %get3A = arith.constant 0 : index
    %get3A_0 = arith.constant 0 : index
    %get3A_1 = vector.load %arg0[%get3A, %get3A_0] : memref<1x1024xf32, #tpu.memory_space<vmem>>, vector<1x1024xf32>
    %get3A_2 = arith.constant 0 : index
    %get3A_3 = arith.constant 0 : index
    %get3A_4 = vector.load %arg2[%get3A_2, %get3A_3] : memref<4x1024xf32, #tpu.memory_space<vmem>>, vector<4x1024xf32>
    %reduce_sum3A = arith.constant dense<0.000000e+00> : vector<1024xf32>
    %reduce_sum3A_5 = vector.multi_reduction <add>, %get3A_4, %reduce_sum3A [0] : vector<4x1024xf32> to vector<1024xf32>
    %broadcast_in_dim3A = vector.shape_cast %reduce_sum3A_5 : vector<1024xf32> to vector<1x1024xf32>
    %add3A = arith.addf %get3A_1, %broadcast_in_dim3A : vector<1x1024xf32>
    %get3A_6 = arith.constant 0 : index
    %get3A_7 = arith.constant 0 : index
    %get3A_8 = vector.load %arg1[%get3A_6, %get3A_7] : memref<1x1024xf32, #tpu.memory_space<vmem>>, vector<1x1024xf32>
    %get3A_9 = arith.constant 0 : index
    %get3A_10 = arith.constant 0 : index
    %get3A_11 = vector.load %arg3[%get3A_9, %get3A_10] : memref<4x1024xf32, #tpu.memory_space<vmem>>, vector<4x1024xf32>
    %reduce_sum3A_12 = arith.constant dense<0.000000e+00> : vector<1024xf32>
    %reduce_sum3A_13 = vector.multi_reduction <add>, %get3A_11, %reduce_sum3A_12 [0] : vector<4x1024xf32> to vector<1024xf32>
    %broadcast_in_dim3A_14 = vector.shape_cast %reduce_sum3A_13 : vector<1024xf32> to vector<1x1024xf32>
    %add3A_15 = arith.addf %get3A_8, %broadcast_in_dim3A_14 : vector<1x1024xf32>
    %mul3A = arith.constant 1.000020e-06 : f32
    %mul3A_16 = vector.broadcast %mul3A : f32 to vector<1x1024xf32>
    %mul3A_17 = arith.mulf %mul3A_16, %add3A : vector<1x1024xf32>
    %sub3A = arith.constant -1.47638738 : f32
    %sub3A_18 = vector.broadcast %sub3A : f32 to vector<1x1024xf32>
    %sub3A_19 = arith.subf %sub3A_18, %mul3A_17 : vector<1x1024xf32>
    %mul3A_20 = arith.constant 0.899998962 : f32
    %mul3A_21 = vector.broadcast %mul3A_20 : f32 to vector<1x1024xf32>
    %mul3A_22 = arith.mulf %mul3A_21, %add3A_15 : vector<1x1024xf32>
    %sub3A_23 = arith.subf %sub3A_19, %mul3A_22 : vector<1x1024xf32>
    %swap3A = arith.constant 0 : index
    %swap3A_24 = arith.constant 0 : index
    %swap3A_25 = vector.load %arg4[%swap3A, %swap3A_24] : memref<1x1024xf32, #tpu.memory_space<vmem>>, vector<1x1024xf32>
    tpu.vector_store %arg4[%swap3A, %swap3A_24], %sub3A_23 {strides = array<i32>} : memref<1x1024xf32, #tpu.memory_space<vmem>>, vector<1x1024xf32>,
    return
  }
}

module attributes {stable_mosaic.version = 14 : i64} {
  func.func @_tc_body(%arg0: memref<100000x1024xf32, #tpu.memory_space<any>>, %arg1: memref<1x1024xi32, #tpu.memory_space<vmem>>, %arg2: memref<1x1024xf32, #tpu.memory_space<vmem>>, %arg3: memref<1x1024xf32, #tpu.memory_space<vmem>>, %arg4: memref<4x1000x1024xf32, #tpu.memory_space<vmem>>, %arg5: memref<4x!tpu.dma_semaphore, #tpu.memory_space<semaphore_mem>>) attributes {dimension_semantics = [], scalar_prefetch = 0 : i64, scratch_operands = 2 : i64, tpu.core_type = #tpu.core_type<tc>} {
    %dma_start3A = arith.constant 0 : i32
    %dma_start3A_0 = arith.constant 0 : i32
    %dma_start3A_1 = tpu.memref_slice %arg5[%dma_start3A_0] : memref<4x!tpu.dma_semaphore, #tpu.memory_space<semaphore_mem>> -> memref<1x!tpu.dma_semaphore, #tpu.memory_space<semaphore_mem>>
    %dma_start3A_2 = tpu.memref_squeeze %dma_start3A_1 : memref<1x!tpu.dma_semaphore, #tpu.memory_space<semaphore_mem>> -> memref<!tpu.dma_semaphore, #tpu.memory_space<semaphore_mem>>
    %dma_start3A_3 = arith.constant 0 : i32
    %dma_start3A_4 = arith.constant 0 : i32
    %dma_start3A_5 = tpu.memref_slice %arg4[%dma_start3A, %dma_start3A_3, %dma_start3A_4] : memref<4x1000x1024xf32, #tpu.memory_space<vmem>> -> memref<1x1000x1024xf32, #tpu.memory_space<vmem>>
    %dma_start3A_6 = tpu.memref_squeeze %dma_start3A_5 : memref<1x1000x1024xf32, #tpu.memory_space<vmem>> -> memref<1000x1024xf32, #tpu.memory_space<vmem>>
    %dma_start3A_7 = arith.constant 0 : i32
    %dma_start3A_8 = arith.constant 0 : i32
    %dma_start3A_9 = tpu.memref_slice %arg0[%dma_start3A_7, %dma_start3A_8] : memref<100000x1024xf32, #tpu.memory_space<any>> -> memref<1000x1024xf32, #tpu.memory_space<any>>
    tpu.enqueue_dma source(%dma_start3A_9 : memref<1000x1024xf32, #tpu.memory_space<any>>) target(%dma_start3A_6 : memref<1000x1024xf32, #tpu.memory_space<vmem>>) target_semaphore(%dma_start3A_2 : memref<!tpu.dma_semaphore, #tpu.memory_space<semaphore_mem>>)
    %dma_start3A_10 = arith.constant 1 : i32
    %dma_start3A_11 = arith.constant 1 : i32
    %dma_start3A_12 = tpu.memref_slice %arg5[%dma_start3A_11] : memref<4x!tpu.dma_semaphore, #tpu.memory_space<semaphore_mem>> -> memref<1x!tpu.dma_semaphore, #tpu.memory_space<semaphore_mem>>
    %dma_start3A_13 = tpu.memref_squeeze %dma_start3A_12 : memref<1x!tpu.dma_semaphore, #tpu.memory_space<semaphore_mem>> -> memref<!tpu.dma_semaphore, #tpu.memory_space<semaphore_mem>>
    %dma_start3A_14 = arith.constant 0 : i32
    %dma_start3A_15 = arith.constant 0 : i32
    %dma_start3A_16 = tpu.memref_slice %arg4[%dma_start3A_10, %dma_start3A_14, %dma_start3A_15] : memref<4x1000x1024xf32, #tpu.memory_space<vmem>> -> memref<1x1000x1024xf32, #tpu.memory_space<vmem>>
    %dma_start3A_17 = tpu.memref_squeeze %dma_start3A_16 : memref<1x1000x1024xf32, #tpu.memory_space<vmem>> -> memref<1000x1024xf32, #tpu.memory_space<vmem>>
    %dma_start3A_18 = arith.constant 1000 : i32
    %dma_start3A_19 = arith.constant 0 : i32
    %dma_start3A_20 = tpu.memref_slice %arg0[%dma_start3A_18, %dma_start3A_19] : memref<100000x1024xf32, #tpu.memory_space<any>> -> memref<1000x1024xf32, #tpu.memory_space<any>>
    tpu.enqueue_dma source(%dma_start3A_20 : memref<1000x1024xf32, #tpu.memory_space<any>>) target(%dma_start3A_17 : memref<1000x1024xf32, #tpu.memory_space<vmem>>) target_semaphore(%dma_start3A_13 : memref<!tpu.dma_semaphore, #tpu.memory_space<semaphore_mem>>)
    %dma_start3A_21 = arith.constant 2 : i32
    %dma_start3A_22 = arith.constant 2 : i32
    %dma_start3A_23 = tpu.memref_slice %arg5[%dma_start3A_22] : memref<4x!tpu.dma_semaphore, #tpu.memory_space<semaphore_mem>> -> memref<1x!tpu.dma_semaphore, #tpu.memory_space<semaphore_mem>>
    %dma_start3A_24 = tpu.memref_squeeze %dma_start3A_23 : memref<1x!tpu.dma_semaphore, #tpu.memory_space<semaphore_mem>> -> memref<!tpu.dma_semaphore, #tpu.memory_space<semaphore_mem>>
    %dma_start3A_25 = arith.constant 0 : i32
    %dma_start3A_26 = arith.constant 0 : i32
    %dma_start3A_27 = tpu.memref_slice %arg4[%dma_start3A_21, %dma_start3A_25, %dma_start3A_26] : memref<4x1000x1024xf32, #tpu.memory_space<vmem>> -> memref<1x1000x1024xf32, #tpu.memory_space<vmem>>
    %dma_start3A_28 = tpu.memref_squeeze %dma_start3A_27 : memref<1x1000x1024xf32, #tpu.memory_space<vmem>> -> memref<1000x1024xf32, #tpu.memory_space<vmem>>
    %dma_start3A_29 = arith.constant 2000 : i32
    %dma_start3A_30 = arith.constant 0 : i32
    %dma_start3A_31 = tpu.memref_slice %arg0[%dma_start3A_29, %dma_start3A_30] : memref<100000x1024xf32, #tpu.memory_space<any>> -> memref<1000x1024xf32, #tpu.memory_space<any>>
    tpu.enqueue_dma source(%dma_start3A_31 : memref<1000x1024xf32, #tpu.memory_space<any>>) target(%dma_start3A_28 : memref<1000x1024xf32, #tpu.memory_space<vmem>>) target_semaphore(%dma_start3A_24 : memref<!tpu.dma_semaphore, #tpu.memory_space<semaphore_mem>>)
    %dma_start3A_32 = arith.constant 3 : i32
    %dma_start3A_33 = arith.constant 3 : i32
    %dma_start3A_34 = tpu.memref_slice %arg5[%dma_start3A_33] : memref<4x!tpu.dma_semaphore, #tpu.memory_space<semaphore_mem>> -> memref<1x!tpu.dma_semaphore, #tpu.memory_space<semaphore_mem>>
    %dma_start3A_35 = tpu.memref_squeeze %dma_start3A_34 : memref<1x!tpu.dma_semaphore, #tpu.memory_space<semaphore_mem>> -> memref<!tpu.dma_semaphore, #tpu.memory_space<semaphore_mem>>
    %dma_start3A_36 = arith.constant 0 : i32
    %dma_start3A_37 = arith.constant 0 : i32
    %dma_start3A_38 = tpu.memref_slice %arg4[%dma_start3A_32, %dma_start3A_36, %dma_start3A_37] : memref<4x1000x1024xf32, #tpu.memory_space<vmem>> -> memref<1x1000x1024xf32, #tpu.memory_space<vmem>>
    %dma_start3A_39 = tpu.memref_squeeze %dma_start3A_38 : memref<1x1000x1024xf32, #tpu.memory_space<vmem>> -> memref<1000x1024xf32, #tpu.memory_space<vmem>>
    %dma_start3A_40 = arith.constant 3000 : i32
    %dma_start3A_41 = arith.constant 0 : i32
    %dma_start3A_42 = tpu.memref_slice %arg0[%dma_start3A_40, %dma_start3A_41] : memref<100000x1024xf32, #tpu.memory_space<any>> -> memref<1000x1024xf32, #tpu.memory_space<any>>
    tpu.enqueue_dma source(%dma_start3A_42 : memref<1000x1024xf32, #tpu.memory_space<any>>) target(%dma_start3A_39 : memref<1000x1024xf32, #tpu.memory_space<vmem>>) target_semaphore(%dma_start3A_35 : memref<!tpu.dma_semaphore, #tpu.memory_space<semaphore_mem>>)
    %broadcast_in_dim3A = arith.constant 0.000000e+00 : f32
    %broadcast_in_dim3A_43 = vector.broadcast %broadcast_in_dim3A : f32 to vector<1x1024xf32>
    %broadcast_in_dim3A_44 = arith.constant 0.000000e+00 : f32
    %broadcast_in_dim3A_45 = vector.broadcast %broadcast_in_dim3A_44 : f32 to vector<1x1024xf32>
    %scan3A = arith.constant 0 : i32
    %scan3A_46 = arith.constant 17 : i32
    %scan3A_47 = arith.addi %scan3A, %scan3A_46 : i32
    %scan3A_48 = arith.constant 1 : i32
    %scan3A_49:2 = scf.for %scan3A_56 = %scan3A to %scan3A_47 step %scan3A_48 iter_args(%scan3A_57 = %broadcast_in_dim3A_43, %scan3A_58 = %broadcast_in_dim3A_45) -> (vector<1x1024xf32>, vector<1x1024xf32>)  : i32 {
      %mul3A = arith.constant 4 : i32
      %mul3A_59 = arith.muli %scan3A_56, %mul3A : i32
      %add3A = arith.constant 0 : i32
      %add3A_60 = arith.addi %mul3A_59, %add3A : i32
      %mul3A_61 = arith.constant 1000 : i32
      %mul3A_62 = arith.muli %add3A_60, %mul3A_61 : i32
      %dma_wait3A = arith.constant 0 : i32
      %dma_wait3A_63 = arith.constant 0 : i32
      %dma_wait3A_64 = tpu.memref_slice %arg5[%dma_wait3A_63] : memref<4x!tpu.dma_semaphore, #tpu.memory_space<semaphore_mem>> -> memref<1x!tpu.dma_semaphore, #tpu.memory_space<semaphore_mem>>
      %dma_wait3A_65 = tpu.memref_squeeze %dma_wait3A_64 : memref<1x!tpu.dma_semaphore, #tpu.memory_space<semaphore_mem>> -> memref<!tpu.dma_semaphore, #tpu.memory_space<semaphore_mem>>
      %dma_wait3A_66 = arith.constant 0 : i32
      %dma_wait3A_67 = arith.constant 0 : i32
      %dma_wait3A_68 = tpu.memref_slice %arg4[%dma_wait3A, %dma_wait3A_66, %dma_wait3A_67] : memref<4x1000x1024xf32, #tpu.memory_space<vmem>> -> memref<1x1000x1024xf32, #tpu.memory_space<vmem>>
      %dma_wait3A_69 = tpu.memref_squeeze %dma_wait3A_68 : memref<1x1000x1024xf32, #tpu.memory_space<vmem>> -> memref<1000x1024xf32, #tpu.memory_space<vmem>>
      %dma_wait3A_70 = arith.constant 0 : i32
      %dma_wait3A_71 = tpu.memref_slice %arg0[%mul3A_62, %dma_wait3A_70] : memref<100000x1024xf32, #tpu.memory_space<any>> -> memref<1000x1024xf32, #tpu.memory_space<any>>
      tpu.wait_dma2 semaphore(%dma_wait3A_65 : memref<!tpu.dma_semaphore, #tpu.memory_space<semaphore_mem>>) src(%dma_wait3A_71 : memref<1000x1024xf32, #tpu.memory_space<any>>) dst(%dma_wait3A_69 : memref<1000x1024xf32, #tpu.memory_space<vmem>>)
      %get3A = arith.constant 0 : index
      %get3A_72 = arith.constant 0 : index
      %get3A_73 = arith.constant 0 : index
      %get3A_74 = vector.load %arg4[%get3A, %get3A_72, %get3A_73] : memref<4x1000x1024xf32, #tpu.memory_space<vmem>>, vector<1x1000x1024xf32>
      %get3A_75 = vector.shape_cast %get3A_74 : vector<1x1000x1024xf32> to vector<1000x1024xf32>
      %reduce_sum3A = arith.constant dense<0.000000e+00> : vector<1024xf32>
      %reduce_sum3A_76 = vector.multi_reduction <add>, %get3A_75, %reduce_sum3A [0] : vector<1000x1024xf32> to vector<1024xf32>
      %broadcast_in_dim3A_77 = vector.shape_cast %reduce_sum3A_76 : vector<1024xf32> to vector<1x1024xf32>
      %add3A_78 = arith.addf %scan3A_57, %broadcast_in_dim3A_77 : vector<1x1024xf32>
      %iota3A = tpu.iota {dimensions = array<i32: 0>} : vector<1000x1024xi32>
      %get3A_79 = arith.constant 0 : index
      %get3A_80 = arith.constant 0 : index
      %get3A_81 = vector.load %arg1[%get3A_79, %get3A_80] : memref<1x1024xi32, #tpu.memory_space<vmem>>, vector<1x1024xi32>
      %mul3A_82 = arith.constant 1000 : i32
      %mul3A_83 = arith.muli %add3A_60, %mul3A_82 : i32
      %sub3A = vector.broadcast %mul3A_83 : i32 to vector<1x1024xi32>
      %sub3A_84 = arith.subi %get3A_81, %sub3A : vector<1x1024xi32>
      %eq3A = vector.broadcast %sub3A_84 : vector<1x1024xi32> to vector<1000x1024xi32>
      %eq3A_85 = arith.cmpi eq, %iota3A, %eq3A : vector<1000x1024xi32>
      %jit3A = arith.constant 0.000000e+00 : f32
      %broadcast_in_dim3A_86 = vector.broadcast %jit3A : f32 to vector<1000x1024xf32>
      %select_n3A = arith.select %eq3A_85, %get3A_75, %broadcast_in_dim3A_86 : vector<1000x1024xi1>, vector<1000x1024xf32>
      %reduce_sum3A_87 = arith.constant dense<0.000000e+00> : vector<1024xf32>
      %reduce_sum3A_88 = vector.multi_reduction <add>, %select_n3A, %reduce_sum3A_87 [0] : vector<1000x1024xf32> to vector<1024xf32>
      %broadcast_in_dim3A_89 = vector.shape_cast %reduce_sum3A_88 : vector<1024xf32> to vector<1x1024xf32>
      %add3A_90 = arith.addf %scan3A_58, %broadcast_in_dim3A_89 : vector<1x1024xf32>
      %add3A_91 = arith.constant 1 : i32
      %add3A_92 = arith.addi %scan3A_56, %add3A_91 : i32
      %lt3A = arith.constant 17 : i32
      %lt3A_93 = arith.cmpi slt, %add3A_92, %lt3A : i32
      %convert_element_type3A = arith.extui %lt3A_93 : i1 to i32
      %cond3A = arith.constant 0 : i32
      %cond3A_94 = arith.cmpi ne, %convert_element_type3A, %cond3A : i32
      scf.if %cond3A_94 {
        %add3A_242 = arith.constant 4 : i32
        %add3A_243 = arith.addi %add3A_60, %add3A_242 : i32
        %mul3A_244 = arith.constant 1000 : i32
        %mul3A_245 = arith.muli %add3A_243, %mul3A_244 : i32
        %dma_start3A_246 = arith.constant 0 : i32
        %dma_start3A_247 = arith.constant 0 : i32
        %dma_start3A_248 = tpu.memref_slice %arg5[%dma_start3A_247] : memref<4x!tpu.dma_semaphore, #tpu.memory_space<semaphore_mem>> -> memref<1x!tpu.dma_semaphore, #tpu.memory_space<semaphore_mem>>
        %dma_start3A_249 = tpu.memref_squeeze %dma_start3A_248 : memref<1x!tpu.dma_semaphore, #tpu.memory_space<semaphore_mem>> -> memref<!tpu.dma_semaphore, #tpu.memory_space<semaphore_mem>>
        %dma_start3A_250 = arith.constant 0 : i32
        %dma_start3A_251 = arith.constant 0 : i32
        %dma_start3A_252 = tpu.memref_slice %arg4[%dma_start3A_246, %dma_start3A_250, %dma_start3A_251] : memref<4x1000x1024xf32, #tpu.memory_space<vmem>> -> memref<1x1000x1024xf32, #tpu.memory_space<vmem>>
        %dma_start3A_253 = tpu.memref_squeeze %dma_start3A_252 : memref<1x1000x1024xf32, #tpu.memory_space<vmem>> -> memref<1000x1024xf32, #tpu.memory_space<vmem>>
        %dma_start3A_254 = arith.constant 0 : i32
        %dma_start3A_255 = tpu.memref_slice %arg0[%mul3A_245, %dma_start3A_254] : memref<100000x1024xf32, #tpu.memory_space<any>> -> memref<1000x1024xf32, #tpu.memory_space<any>>
        tpu.enqueue_dma source(%dma_start3A_255 : memref<1000x1024xf32, #tpu.memory_space<any>>) target(%dma_start3A_253 : memref<1000x1024xf32, #tpu.memory_space<vmem>>) target_semaphore(%dma_start3A_249 : memref<!tpu.dma_semaphore, #tpu.memory_space<semaphore_mem>>)
      } else {
      }
      %mul3A_95 = arith.constant 4 : i32
      %mul3A_96 = arith.muli %scan3A_56, %mul3A_95 : i32
      %add3A_97 = arith.constant 1 : i32
      %add3A_98 = arith.addi %mul3A_96, %add3A_97 : i32
      %mul3A_99 = arith.constant 1000 : i32
      %mul3A_100 = arith.muli %add3A_98, %mul3A_99 : i32
      %dma_wait3A_101 = arith.constant 1 : i32
      %dma_wait3A_102 = arith.constant 1 : i32
      %dma_wait3A_103 = tpu.memref_slice %arg5[%dma_wait3A_102] : memref<4x!tpu.dma_semaphore, #tpu.memory_space<semaphore_mem>> -> memref<1x!tpu.dma_semaphore, #tpu.memory_space<semaphore_mem>>
      %dma_wait3A_104 = tpu.memref_squeeze %dma_wait3A_103 : memref<1x!tpu.dma_semaphore, #tpu.memory_space<semaphore_mem>> -> memref<!tpu.dma_semaphore, #tpu.memory_space<semaphore_mem>>
      %dma_wait3A_105 = arith.constant 0 : i32
      %dma_wait3A_106 = arith.constant 0 : i32
      %dma_wait3A_107 = tpu.memref_slice %arg4[%dma_wait3A_101, %dma_wait3A_105, %dma_wait3A_106] : memref<4x1000x1024xf32, #tpu.memory_space<vmem>> -> memref<1x1000x1024xf32, #tpu.memory_space<vmem>>
      %dma_wait3A_108 = tpu.memref_squeeze %dma_wait3A_107 : memref<1x1000x1024xf32, #tpu.memory_space<vmem>> -> memref<1000x1024xf32, #tpu.memory_space<vmem>>
      %dma_wait3A_109 = arith.constant 0 : i32
      %dma_wait3A_110 = tpu.memref_slice %arg0[%mul3A_100, %dma_wait3A_109] : memref<100000x1024xf32, #tpu.memory_space<any>> -> memref<1000x1024xf32, #tpu.memory_space<any>>
      tpu.wait_dma2 semaphore(%dma_wait3A_104 : memref<!tpu.dma_semaphore, #tpu.memory_space<semaphore_mem>>) src(%dma_wait3A_110 : memref<1000x1024xf32, #tpu.memory_space<any>>) dst(%dma_wait3A_108 : memref<1000x1024xf32, #tpu.memory_space<vmem>>)
      %get3A_111 = arith.constant 1 : index
      %get3A_112 = arith.constant 0 : index
      %get3A_113 = arith.constant 0 : index
      %get3A_114 = vector.load %arg4[%get3A_111, %get3A_112, %get3A_113] : memref<4x1000x1024xf32, #tpu.memory_space<vmem>>, vector<1x1000x1024xf32>
      %get3A_115 = vector.shape_cast %get3A_114 : vector<1x1000x1024xf32> to vector<1000x1024xf32>
      %reduce_sum3A_116 = arith.constant dense<0.000000e+00> : vector<1024xf32>
      %reduce_sum3A_117 = vector.multi_reduction <add>, %get3A_115, %reduce_sum3A_116 [0] : vector<1000x1024xf32> to vector<1024xf32>
      %broadcast_in_dim3A_118 = vector.shape_cast %reduce_sum3A_117 : vector<1024xf32> to vector<1x1024xf32>
      %add3A_119 = arith.addf %add3A_78, %broadcast_in_dim3A_118 : vector<1x1024xf32>
      %iota3A_120 = tpu.iota {dimensions = array<i32: 0>} : vector<1000x1024xi32>
      %get3A_121 = arith.constant 0 : index
      %get3A_122 = arith.constant 0 : index
      %get3A_123 = vector.load %arg1[%get3A_121, %get3A_122] : memref<1x1024xi32, #tpu.memory_space<vmem>>, vector<1x1024xi32>
      %mul3A_124 = arith.constant 1000 : i32
      %mul3A_125 = arith.muli %add3A_98, %mul3A_124 : i32
      %sub3A_126 = vector.broadcast %mul3A_125 : i32 to vector<1x1024xi32>
      %sub3A_127 = arith.subi %get3A_123, %sub3A_126 : vector<1x1024xi32>
      %eq3A_128 = vector.broadcast %sub3A_127 : vector<1x1024xi32> to vector<1000x1024xi32>
      %eq3A_129 = arith.cmpi eq, %iota3A_120, %eq3A_128 : vector<1000x1024xi32>
      %jit3A_130 = arith.constant 0.000000e+00 : f32
      %broadcast_in_dim3A_131 = vector.broadcast %jit3A_130 : f32 to vector<1000x1024xf32>
      %select_n3A_132 = arith.select %eq3A_129, %get3A_115, %broadcast_in_dim3A_131 : vector<1000x1024xi1>, vector<1000x1024xf32>
      %reduce_sum3A_133 = arith.constant dense<0.000000e+00> : vector<1024xf32>
      %reduce_sum3A_134 = vector.multi_reduction <add>, %select_n3A_132, %reduce_sum3A_133 [0] : vector<1000x1024xf32> to vector<1024xf32>
      %broadcast_in_dim3A_135 = vector.shape_cast %reduce_sum3A_134 : vector<1024xf32> to vector<1x1024xf32>
      %add3A_136 = arith.addf %add3A_90, %broadcast_in_dim3A_135 : vector<1x1024xf32>
      %add3A_137 = arith.constant 1 : i32
      %add3A_138 = arith.addi %scan3A_56, %add3A_137 : i32
      %lt3A_139 = arith.constant 17 : i32
      %lt3A_140 = arith.cmpi slt, %add3A_138, %lt3A_139 : i32
      %convert_element_type3A_141 = arith.extui %lt3A_140 : i1 to i32
      %cond3A_142 = arith.constant 0 : i32
      %cond3A_143 = arith.cmpi ne, %convert_element_type3A_141, %cond3A_142 : i32
      scf.if %cond3A_143 {
        %add3A_242 = arith.constant 4 : i32
        %add3A_243 = arith.addi %add3A_98, %add3A_242 : i32
        %mul3A_244 = arith.constant 1000 : i32
        %mul3A_245 = arith.muli %add3A_243, %mul3A_244 : i32
        %dma_start3A_246 = arith.constant 1 : i32
        %dma_start3A_247 = arith.constant 1 : i32
        %dma_start3A_248 = tpu.memref_slice %arg5[%dma_start3A_247] : memref<4x!tpu.dma_semaphore, #tpu.memory_space<semaphore_mem>> -> memref<1x!tpu.dma_semaphore, #tpu.memory_space<semaphore_mem>>
        %dma_start3A_249 = tpu.memref_squeeze %dma_start3A_248 : memref<1x!tpu.dma_semaphore, #tpu.memory_space<semaphore_mem>> -> memref<!tpu.dma_semaphore, #tpu.memory_space<semaphore_mem>>
        %dma_start3A_250 = arith.constant 0 : i32
        %dma_start3A_251 = arith.constant 0 : i32
        %dma_start3A_252 = tpu.memref_slice %arg4[%dma_start3A_246, %dma_start3A_250, %dma_start3A_251] : memref<4x1000x1024xf32, #tpu.memory_space<vmem>> -> memref<1x1000x1024xf32, #tpu.memory_space<vmem>>
        %dma_start3A_253 = tpu.memref_squeeze %dma_start3A_252 : memref<1x1000x1024xf32, #tpu.memory_space<vmem>> -> memref<1000x1024xf32, #tpu.memory_space<vmem>>
        %dma_start3A_254 = arith.constant 0 : i32
        %dma_start3A_255 = tpu.memref_slice %arg0[%mul3A_245, %dma_start3A_254] : memref<100000x1024xf32, #tpu.memory_space<any>> -> memref<1000x1024xf32, #tpu.memory_space<any>>
        tpu.enqueue_dma source(%dma_start3A_255 : memref<1000x1024xf32, #tpu.memory_space<any>>) target(%dma_start3A_253 : memref<1000x1024xf32, #tpu.memory_space<vmem>>) target_semaphore(%dma_start3A_249 : memref<!tpu.dma_semaphore, #tpu.memory_space<semaphore_mem>>)
      } else {
      }
      %mul3A_144 = arith.constant 4 : i32
      %mul3A_145 = arith.muli %scan3A_56, %mul3A_144 : i32
      %add3A_146 = arith.constant 2 : i32
      %add3A_147 = arith.addi %mul3A_145, %add3A_146 : i32
      %mul3A_148 = arith.constant 1000 : i32
      %mul3A_149 = arith.muli %add3A_147, %mul3A_148 : i32
      %dma_wait3A_150 = arith.constant 2 : i32
      %dma_wait3A_151 = arith.constant 2 : i32
      %dma_wait3A_152 = tpu.memref_slice %arg5[%dma_wait3A_151] : memref<4x!tpu.dma_semaphore, #tpu.memory_space<semaphore_mem>> -> memref<1x!tpu.dma_semaphore, #tpu.memory_space<semaphore_mem>>
      %dma_wait3A_153 = tpu.memref_squeeze %dma_wait3A_152 : memref<1x!tpu.dma_semaphore, #tpu.memory_space<semaphore_mem>> -> memref<!tpu.dma_semaphore, #tpu.memory_space<semaphore_mem>>
      %dma_wait3A_154 = arith.constant 0 : i32
      %dma_wait3A_155 = arith.constant 0 : i32
      %dma_wait3A_156 = tpu.memref_slice %arg4[%dma_wait3A_150, %dma_wait3A_154, %dma_wait3A_155] : memref<4x1000x1024xf32, #tpu.memory_space<vmem>> -> memref<1x1000x1024xf32, #tpu.memory_space<vmem>>
      %dma_wait3A_157 = tpu.memref_squeeze %dma_wait3A_156 : memref<1x1000x1024xf32, #tpu.memory_space<vmem>> -> memref<1000x1024xf32, #tpu.memory_space<vmem>>
      %dma_wait3A_158 = arith.constant 0 : i32
      %dma_wait3A_159 = tpu.memref_slice %arg0[%mul3A_149, %dma_wait3A_158] : memref<100000x1024xf32, #tpu.memory_space<any>> -> memref<1000x1024xf32, #tpu.memory_space<any>>
      tpu.wait_dma2 semaphore(%dma_wait3A_153 : memref<!tpu.dma_semaphore, #tpu.memory_space<semaphore_mem>>) src(%dma_wait3A_159 : memref<1000x1024xf32, #tpu.memory_space<any>>) dst(%dma_wait3A_157 : memref<1000x1024xf32, #tpu.memory_space<vmem>>)
      %get3A_160 = arith.constant 2 : index
      %get3A_161 = arith.constant 0 : index
      %get3A_162 = arith.constant 0 : index
      %get3A_163 = vector.load %arg4[%get3A_160, %get3A_161, %get3A_162] : memref<4x1000x1024xf32, #tpu.memory_space<vmem>>, vector<1x1000x1024xf32>
      %get3A_164 = vector.shape_cast %get3A_163 : vector<1x1000x1024xf32> to vector<1000x1024xf32>
      %reduce_sum3A_165 = arith.constant dense<0.000000e+00> : vector<1024xf32>
      %reduce_sum3A_166 = vector.multi_reduction <add>, %get3A_164, %reduce_sum3A_165 [0] : vector<1000x1024xf32> to vector<1024xf32>
      %broadcast_in_dim3A_167 = vector.shape_cast %reduce_sum3A_166 : vector<1024xf32> to vector<1x1024xf32>
      %add3A_168 = arith.addf %add3A_119, %broadcast_in_dim3A_167 : vector<1x1024xf32>
      %iota3A_169 = tpu.iota {dimensions = array<i32: 0>} : vector<1000x1024xi32>
      %get3A_170 = arith.constant 0 : index
      %get3A_171 = arith.constant 0 : index
      %get3A_172 = vector.load %arg1[%get3A_170, %get3A_171] : memref<1x1024xi32, #tpu.memory_space<vmem>>, vector<1x1024xi32>
      %mul3A_173 = arith.constant 1000 : i32
      %mul3A_174 = arith.muli %add3A_147, %mul3A_173 : i32
      %sub3A_175 = vector.broadcast %mul3A_174 : i32 to vector<1x1024xi32>
      %sub3A_176 = arith.subi %get3A_172, %sub3A_175 : vector<1x1024xi32>
      %eq3A_177 = vector.broadcast %sub3A_176 : vector<1x1024xi32> to vector<1000x1024xi32>
      %eq3A_178 = arith.cmpi eq, %iota3A_169, %eq3A_177 : vector<1000x1024xi32>
      %jit3A_179 = arith.constant 0.000000e+00 : f32
      %broadcast_in_dim3A_180 = vector.broadcast %jit3A_179 : f32 to vector<1000x1024xf32>
      %select_n3A_181 = arith.select %eq3A_178, %get3A_164, %broadcast_in_dim3A_180 : vector<1000x1024xi1>, vector<1000x1024xf32>
      %reduce_sum3A_182 = arith.constant dense<0.000000e+00> : vector<1024xf32>
      %reduce_sum3A_183 = vector.multi_reduction <add>, %select_n3A_181, %reduce_sum3A_182 [0] : vector<1000x1024xf32> to vector<1024xf32>
      %broadcast_in_dim3A_184 = vector.shape_cast %reduce_sum3A_183 : vector<1024xf32> to vector<1x1024xf32>
      %add3A_185 = arith.addf %add3A_136, %broadcast_in_dim3A_184 : vector<1x1024xf32>
      %add3A_186 = arith.constant 1 : i32
      %add3A_187 = arith.addi %scan3A_56, %add3A_186 : i32
      %lt3A_188 = arith.constant 17 : i32
      %lt3A_189 = arith.cmpi slt, %add3A_187, %lt3A_188 : i32
      %convert_element_type3A_190 = arith.extui %lt3A_189 : i1 to i32
      %cond3A_191 = arith.constant 0 : i32
      %cond3A_192 = arith.cmpi ne, %convert_element_type3A_190, %cond3A_191 : i32
      scf.if %cond3A_192 {
        %add3A_242 = arith.constant 4 : i32
        %add3A_243 = arith.addi %add3A_147, %add3A_242 : i32
        %mul3A_244 = arith.constant 1000 : i32
        %mul3A_245 = arith.muli %add3A_243, %mul3A_244 : i32
        %dma_start3A_246 = arith.constant 2 : i32
        %dma_start3A_247 = arith.constant 2 : i32
        %dma_start3A_248 = tpu.memref_slice %arg5[%dma_start3A_247] : memref<4x!tpu.dma_semaphore, #tpu.memory_space<semaphore_mem>> -> memref<1x!tpu.dma_semaphore, #tpu.memory_space<semaphore_mem>>
        %dma_start3A_249 = tpu.memref_squeeze %dma_start3A_248 : memref<1x!tpu.dma_semaphore, #tpu.memory_space<semaphore_mem>> -> memref<!tpu.dma_semaphore, #tpu.memory_space<semaphore_mem>>
        %dma_start3A_250 = arith.constant 0 : i32
        %dma_start3A_251 = arith.constant 0 : i32
        %dma_start3A_252 = tpu.memref_slice %arg4[%dma_start3A_246, %dma_start3A_250, %dma_start3A_251] : memref<4x1000x1024xf32, #tpu.memory_space<vmem>> -> memref<1x1000x1024xf32, #tpu.memory_space<vmem>>
        %dma_start3A_253 = tpu.memref_squeeze %dma_start3A_252 : memref<1x1000x1024xf32, #tpu.memory_space<vmem>> -> memref<1000x1024xf32, #tpu.memory_space<vmem>>
        %dma_start3A_254 = arith.constant 0 : i32
        %dma_start3A_255 = tpu.memref_slice %arg0[%mul3A_245, %dma_start3A_254] : memref<100000x1024xf32, #tpu.memory_space<any>> -> memref<1000x1024xf32, #tpu.memory_space<any>>
        tpu.enqueue_dma source(%dma_start3A_255 : memref<1000x1024xf32, #tpu.memory_space<any>>) target(%dma_start3A_253 : memref<1000x1024xf32, #tpu.memory_space<vmem>>) target_semaphore(%dma_start3A_249 : memref<!tpu.dma_semaphore, #tpu.memory_space<semaphore_mem>>)
      } else {
      }
      %mul3A_193 = arith.constant 4 : i32
      %mul3A_194 = arith.muli %scan3A_56, %mul3A_193 : i32
      %add3A_195 = arith.constant 3 : i32
      %add3A_196 = arith.addi %mul3A_194, %add3A_195 : i32
      %mul3A_197 = arith.constant 1000 : i32
      %mul3A_198 = arith.muli %add3A_196, %mul3A_197 : i32
      %dma_wait3A_199 = arith.constant 3 : i32
      %dma_wait3A_200 = arith.constant 3 : i32
      %dma_wait3A_201 = tpu.memref_slice %arg5[%dma_wait3A_200] : memref<4x!tpu.dma_semaphore, #tpu.memory_space<semaphore_mem>> -> memref<1x!tpu.dma_semaphore, #tpu.memory_space<semaphore_mem>>
      %dma_wait3A_202 = tpu.memref_squeeze %dma_wait3A_201 : memref<1x!tpu.dma_semaphore, #tpu.memory_space<semaphore_mem>> -> memref<!tpu.dma_semaphore, #tpu.memory_space<semaphore_mem>>
      %dma_wait3A_203 = arith.constant 0 : i32
      %dma_wait3A_204 = arith.constant 0 : i32
      %dma_wait3A_205 = tpu.memref_slice %arg4[%dma_wait3A_199, %dma_wait3A_203, %dma_wait3A_204] : memref<4x1000x1024xf32, #tpu.memory_space<vmem>> -> memref<1x1000x1024xf32, #tpu.memory_space<vmem>>
      %dma_wait3A_206 = tpu.memref_squeeze %dma_wait3A_205 : memref<1x1000x1024xf32, #tpu.memory_space<vmem>> -> memref<1000x1024xf32, #tpu.memory_space<vmem>>
      %dma_wait3A_207 = arith.constant 0 : i32
      %dma_wait3A_208 = tpu.memref_slice %arg0[%mul3A_198, %dma_wait3A_207] : memref<100000x1024xf32, #tpu.memory_space<any>> -> memref<1000x1024xf32, #tpu.memory_space<any>>
      tpu.wait_dma2 semaphore(%dma_wait3A_202 : memref<!tpu.dma_semaphore, #tpu.memory_space<semaphore_mem>>) src(%dma_wait3A_208 : memref<1000x1024xf32, #tpu.memory_space<any>>) dst(%dma_wait3A_206 : memref<1000x1024xf32, #tpu.memory_space<vmem>>)
      %get3A_209 = arith.constant 3 : index
      %get3A_210 = arith.constant 0 : index
      %get3A_211 = arith.constant 0 : index
      %get3A_212 = vector.load %arg4[%get3A_209, %get3A_210, %get3A_211] : memref<4x1000x1024xf32, #tpu.memory_space<vmem>>, vector<1x1000x1024xf32>
      %get3A_213 = vector.shape_cast %get3A_212 : vector<1x1000x1024xf32> to vector<1000x1024xf32>
      %reduce_sum3A_214 = arith.constant dense<0.000000e+00> : vector<1024xf32>
      %reduce_sum3A_215 = vector.multi_reduction <add>, %get3A_213, %reduce_sum3A_214 [0] : vector<1000x1024xf32> to vector<1024xf32>
      %broadcast_in_dim3A_216 = vector.shape_cast %reduce_sum3A_215 : vector<1024xf32> to vector<1x1024xf32>
      %add3A_217 = arith.addf %add3A_168, %broadcast_in_dim3A_216 : vector<1x1024xf32>
      %iota3A_218 = tpu.iota {dimensions = array<i32: 0>} : vector<1000x1024xi32>
      %get3A_219 = arith.constant 0 : index
      %get3A_220 = arith.constant 0 : index
      %get3A_221 = vector.load %arg1[%get3A_219, %get3A_220] : memref<1x1024xi32, #tpu.memory_space<vmem>>, vector<1x1024xi32>
      %mul3A_222 = arith.constant 1000 : i32
      %mul3A_223 = arith.muli %add3A_196, %mul3A_222 : i32
      %sub3A_224 = vector.broadcast %mul3A_223 : i32 to vector<1x1024xi32>
      %sub3A_225 = arith.subi %get3A_221, %sub3A_224 : vector<1x1024xi32>
      %eq3A_226 = vector.broadcast %sub3A_225 : vector<1x1024xi32> to vector<1000x1024xi32>
      %eq3A_227 = arith.cmpi eq, %iota3A_218, %eq3A_226 : vector<1000x1024xi32>
      %jit3A_228 = arith.constant 0.000000e+00 : f32
      %broadcast_in_dim3A_229 = vector.broadcast %jit3A_228 : f32 to vector<1000x1024xf32>
      %select_n3A_230 = arith.select %eq3A_227, %get3A_213, %broadcast_in_dim3A_229 : vector<1000x1024xi1>, vector<1000x1024xf32>
      %reduce_sum3A_231 = arith.constant dense<0.000000e+00> : vector<1024xf32>
      %reduce_sum3A_232 = vector.multi_reduction <add>, %select_n3A_230, %reduce_sum3A_231 [0] : vector<1000x1024xf32> to vector<1024xf32>
      %broadcast_in_dim3A_233 = vector.shape_cast %reduce_sum3A_232 : vector<1024xf32> to vector<1x1024xf32>
      %add3A_234 = arith.addf %add3A_185, %broadcast_in_dim3A_233 : vector<1x1024xf32>
      %add3A_235 = arith.constant 1 : i32
      %add3A_236 = arith.addi %scan3A_56, %add3A_235 : i32
      %lt3A_237 = arith.constant 17 : i32
      %lt3A_238 = arith.cmpi slt, %add3A_236, %lt3A_237 : i32
      %convert_element_type3A_239 = arith.extui %lt3A_238 : i1 to i32
      %cond3A_240 = arith.constant 0 : i32
      %cond3A_241 = arith.cmpi ne, %convert_element_type3A_239, %cond3A_240 : i32
      scf.if %cond3A_241 {
        %add3A_242 = arith.constant 4 : i32
        %add3A_243 = arith.addi %add3A_196, %add3A_242 : i32
        %mul3A_244 = arith.constant 1000 : i32
        %mul3A_245 = arith.muli %add3A_243, %mul3A_244 : i32
        %dma_start3A_246 = arith.constant 3 : i32
        %dma_start3A_247 = arith.constant 3 : i32
        %dma_start3A_248 = tpu.memref_slice %arg5[%dma_start3A_247] : memref<4x!tpu.dma_semaphore, #tpu.memory_space<semaphore_mem>> -> memref<1x!tpu.dma_semaphore, #tpu.memory_space<semaphore_mem>>
        %dma_start3A_249 = tpu.memref_squeeze %dma_start3A_248 : memref<1x!tpu.dma_semaphore, #tpu.memory_space<semaphore_mem>> -> memref<!tpu.dma_semaphore, #tpu.memory_space<semaphore_mem>>
        %dma_start3A_250 = arith.constant 0 : i32
        %dma_start3A_251 = arith.constant 0 : i32
        %dma_start3A_252 = tpu.memref_slice %arg4[%dma_start3A_246, %dma_start3A_250, %dma_start3A_251] : memref<4x1000x1024xf32, #tpu.memory_space<vmem>> -> memref<1x1000x1024xf32, #tpu.memory_space<vmem>>
        %dma_start3A_253 = tpu.memref_squeeze %dma_start3A_252 : memref<1x1000x1024xf32, #tpu.memory_space<vmem>> -> memref<1000x1024xf32, #tpu.memory_space<vmem>>
        %dma_start3A_254 = arith.constant 0 : i32
        %dma_start3A_255 = tpu.memref_slice %arg0[%mul3A_245, %dma_start3A_254] : memref<100000x1024xf32, #tpu.memory_space<any>> -> memref<1000x1024xf32, #tpu.memory_space<any>>
        tpu.enqueue_dma source(%dma_start3A_255 : memref<1000x1024xf32, #tpu.memory_space<any>>) target(%dma_start3A_253 : memref<1000x1024xf32, #tpu.memory_space<vmem>>) target_semaphore(%dma_start3A_249 : memref<!tpu.dma_semaphore, #tpu.memory_space<semaphore_mem>>)
      } else {
      }
      scf.yield %add3A_217, %add3A_234 : vector<1x1024xf32>, vector<1x1024xf32>
    }
    %scan3A_50 = arith.constant 17 : i32
    %swap3A = arith.constant 0 : index
    %swap3A_51 = arith.constant 0 : index
    %swap3A_52 = vector.load %arg2[%swap3A, %swap3A_51] : memref<1x1024xf32, #tpu.memory_space<vmem>>, vector<1x1024xf32>
    tpu.vector_store %arg2[%swap3A, %swap3A_51], %scan3A_49#0 {strides = array<i32>} : memref<1x1024xf32, #tpu.memory_space<vmem>>, vector<1x1024xf32>,
    %swap3A_53 = arith.constant 0 : index
    %swap3A_54 = arith.constant 0 : index
    %swap3A_55 = vector.load %arg3[%swap3A_53, %swap3A_54] : memref<1x1024xf32, #tpu.memory_space<vmem>>, vector<1x1024xf32>
    tpu.vector_store %arg3[%swap3A_53, %swap3A_54], %scan3A_49#1 {strides = array<i32>} : memref<1x1024xf32, #tpu.memory_space<vmem>>, vector<1x1024xf32>,
    return
  }
}

</mosaic_0001>

<sc_bundles>
// kernel: kernel.5.cloned.1.call-start
scs
__scs_entry_jumppad:
0x0: {  	(pc) =	sbr.rel $0x88, $3  }
0x1: {  	(tag) =	ssettag $0x0;
	lr =	simm.s32 $0x1  }
0x2: {  	[smem:$0x3F9F] =	sst lr;
	_ =	strace $0xD0000000  }
0x3: {  	_ = 	snop  }
0x4: {  	_ = 	snop  }
0x5: {  	_ = 	snop  }
0x6: {  	_ = 	snop  }
0x7: {  	_ = 	snop  }
__scs_overlays_trampoline_lowered:
0x8: {  	[smem:$0x3FAE] =	sst s0  }
0x9: {  	[smem:$0x3FAF] =	sst s1  }
0xa: {  	[smem:$0x3FB0] =	sst s2  }
0xb: {  	[smem:$0x3FB1] =	sst s3  }
0xc: {  	[smem:$0x3FB2] =	sst s4  }
0xd: {  	[smem:$0x3FB3] =	sst s5  }
0xe: {  	[smem:$0x3FB4] =	sst s6  }
0xf: {  	[smem:$0x3FB5] =	sst s7  }
0x10: {  	[smem:$0x3FB6] =	sst s8  }
0x11: {  	[smem:$0x3FB7] =	sst s9;
	s0 =	simm.s32 @!p0 $0x0  }
0x12: {  	s1 =	sld [smem:$0x3F9D];
	s0 =	simm.s32 @p0 $0x1  }
0x13: {  	[smem:$0x3FB8] =	sst s0;
	s0 =	simm.s32 @!p1 $0x0  }
0x14: {  	s2 =	sld [smem:$0x3F9C];
	s0 =	simm.s32 @p1 $0x1  }
0x15: {  	[smem:$0x3FB9] =	sst s0;
	s0 =	simm.s32 @!p2 $0x0  }
0x16: {  	s3 =	sld [smem:$0x3FDB];
	s0 =	simm.s32 @p2 $0x1  }
0x17: {  	s4 =	simm.s32 $0x1BF5;
	[smem:$0x3FBB] =	sst s0  }
0x18: {  	s0 =	sld [smem:$0x3F9E];
	_ =	swait.ge [sflag:s4], $0x0  }
0x19: {  	s7 =	sld [smem:$0x3F9F]  }
0x1a: {  	s8 =	sadd.s32 $0xFFFFE003, lr  }
0x1b: {  	s9 =	sadd.s32 $0xFFFFFEF7, lr;
	s5 =	simm.s32 $0xFFFFFFFF;
	p2 =	slt.u32 s8, $0xFFFFF086  }
0x1c: {  	p1 =	slt.u32 s9, $0xF7A;
	s5 =	simm.s32 @!p2 $0x0  }
0x1d: {  	s5 =	simm.s32 @p1 $0x1;
	p0 =	seq.s32 s7, s2  }
0x1e: {  	s7 =	smul.u32 @!p0 $0xF7A, s2;
	p2 =	seq.s32 @!p0 s5, $0x0  }
0x1f: {  	s9 =	smul.u32 $0xF7A, s1;
	s8 =	simm.s32 @!p0 $0x1BF5;
	p2 =	por !p2, p0  }
0x20: {  	[sflag:s8] =	ssyncset.s32 @!p0 $0xFFFFF086;
	s6 =	sadd.s32 @!p0 s3, s7;
	s7 =	simm.s32 @!p0 $0x108  }
0x21: {  	s3 =	sadd.s32 s3, s9;
	s6 =	sadd.s32 @!p0 $0x88, s6;
	s7 =	simm.s32 @p2 $0x1082  }
0x22: {  	[simem:s7], [sflag:s8] =	dma.local @!p0 [hbm:s6], $0xF7A  }
0x23: {  	s9 =	sor.u32 $0xD0000000, s2;
	s6 =	simm.s32 $0x108;
	_ =	swait.ge @!p0 [sflag:s8], $0x0  }
0x24: {  	s3 =	sadd.s32 $0x88, s3;
	s6 =	simm.s32 @!p1 $0x1082;
	[sflag:s4] =	ssyncset.s32 $0xFFFFF086  }
0x25: {  	[simem:s6], [sflag:s4] =	dma.local [hbm:s3], $0xF7A  }
0x26: {  	[smem:$0x3F9F] =	sst s1;
	(tag) =	ssettag s2;
	_ =	strace s9  }
0x27: {  	s1 =	sld [smem:$0x3FAF]  }
0x28: {  	s2 =	sld [smem:$0x3FB0]  }
0x29: {  	s4 =	sld [smem:$0x3FB2]  }
0x2a: {  	p0 =	seq.s32 s5, $0x0;
	s5 =	sld [smem:$0x3FB3]  }
0x2b: {  	s6 =	sld [smem:$0x3FB4]  }
0x2c: {  	s7 =	sld [smem:$0x3FB5]  }
0x2d: {  	s3 =	simm.s32 $0x108;
	s8 =	sld [smem:$0x3FB6]  }
0x2e: {  	s3 =	simm.s32 @!p0 $0x1082;
	s9 =	sld [smem:$0x3FB7]  }
0x2f: {  	lr =	sadd.s32 s0, s3;
	s0 =	sld [smem:$0x3FAE]  }
0x30: {  	s3 =	sld [smem:$0x3FB1]  }
0x31: {  	[smem:$0x3FBA] =	sst s10  }
0x32: {  	s10 =	sld [smem:$0x3FB8];
	_ =	sdelay $0x3  }
0x33: {  	p0 =	seq.s32 s10, $0x1;
	s10 =	sld [smem:$0x3FBA];
	_ =	sdelay $0x3  }
0x34: {  	[smem:$0x3FBA] =	sst s10  }
0x35: {  	s10 =	sld [smem:$0x3FB9];
	_ =	sdelay $0x3  }
0x36: {  	p1 =	seq.s32 s10, $0x1;
	s10 =	sld [smem:$0x3FBA];
	_ =	sdelay $0x3  }
0x37: {  	[smem:$0x3FBA] =	sst s10  }
0x38: {  	s10 =	sld [smem:$0x3FBB]  }
0x39: {  	_ = 	snop;
	(pc) =	sbr.ind lr, $3  }
0x3a: {  	_ = 	snop  }
0x3b: {  	_ = 	snop  }
0x3c: {  	p2 =	seq.s32 s10, $0x1;
	s10 =	sld [smem:$0x3FBA]  }
0x3d: {  	_ =	shalt  }
0x3e: {  	_ =	shalt  }
0x3f: {  	_ =	shalt  }
0x40: {  	_ =	shalt  }
0x41: {  	_ =	shalt  }
0x42: {  	_ =	shalt  }
0x43: {  	_ =	shalt  }
0x44: {  	_ =	shalt  }
0x45: {  	_ =	shalt  }
0x46: {  	_ =	shalt  }
0x47: {  	_ =	shalt  }
0x48: {  	_ =	shalt  }
0x49: {  	_ =	shalt  }
0x4a: {  	_ =	shalt  }
0x4b: {  	_ =	shalt  }
0x4c: {  	_ =	shalt  }
0x4d: {  	_ =	shalt  }
0x4e: {  	_ =	shalt  }
0x4f: {  	_ =	shalt  }
0x50: {  	_ =	shalt  }
0x51: {  	_ =	shalt  }
0x52: {  	_ =	shalt  }
0x53: {  	_ =	shalt  }
0x54: {  	_ =	shalt  }
0x55: {  	_ =	shalt  }
0x56: {  	_ =	shalt  }
0x57: {  	_ =	shalt  }
0x58: {  	_ =	shalt  }
0x59: {  	_ =	shalt  }
0x5a: {  	_ =	shalt  }
0x5b: {  	_ =	shalt  }
0x5c: {  	_ =	shalt  }
0x5d: {  	_ =	shalt  }
0x5e: {  	_ =	shalt  }
0x5f: {  	_ =	shalt  }
0x60: {  	_ =	shalt  }
0x61: {  	_ =	shalt  }
0x62: {  	_ =	shalt  }
0x63: {  	_ =	shalt  }
0x64: {  	_ =	shalt  }
0x65: {  	_ =	shalt  }
0x66: {  	_ =	shalt  }
0x67: {  	_ =	shalt  }
0x68: {  	_ =	shalt  }
0x69: {  	_ =	shalt  }
0x6a: {  	_ =	shalt  }
0x6b: {  	_ =	shalt  }
0x6c: {  	_ =	shalt  }
0x6d: {  	_ =	shalt  }
0x6e: {  	_ =	shalt  }
0x6f: {  	_ =	shalt  }
0x70: {  	_ =	shalt  }
0x71: {  	_ =	shalt  }
0x72: {  	_ =	shalt  }
0x73: {  	_ =	shalt  }
0x74: {  	_ =	shalt  }
0x75: {  	_ =	shalt  }
0x76: {  	_ =	shalt  }
0x77: {  	_ =	shalt  }
0x78: {  	_ =	shalt  }
0x79: {  	_ =	shalt  }
0x7a: {  	_ =	shalt  }
0x7b: {  	_ =	shalt  }
0x7c: {  	_ =	shalt  }
0x7d: {  	_ =	shalt  }
0x7e: {  	_ =	shalt  }
0x7f: {  	_ =	shalt  }
0x80: {  	_ =	shalt  }
0x81: {  	_ =	shalt  }
0x82: {  	_ =	shalt  }
0x83: {  	_ =	shalt  }
0x84: {  	_ =	shalt  }
0x85: {  	_ =	shalt  }
0x86: {  	_ =	shalt  }
0x87: {  	_ =	shalt  }
.Lfunc_end0:
.L_simem_size_0:
called_computation_lowered:
.L_overlay_start_0:
0x88: {  	s2 =	sld [smem:$0x3FD9]  }
0x89: {  	s3 =	sld [smem:$0x3FFE];
	_ =	sdelay $0x1  }
0x8a: {  	s1 =	srdreg.scid  }
0x8b: {  	s0 =	sand.u32 $0x1, s1  }
0x8c: {  	s17 =	sshll.u32 s0, $0xA;
	s2 =	sadd.s32 s3, s2  }
0x8d: {  	s2 =	sadd.s32 s2, s17  }
0x8e: {  	[smem:$0x3FC6] =	sst s2  }
0x8f: {  	_ = 	snop  }
0x90: {  	s2 =	sld [smem:$0x3FC9]  }
0x91: {  	s18 =	sld [smem:$0x3FC8];
	(tm) =	ssettm $0x1  }
0x92: {  	s4 =	sld [smem:$0x3FFB];
	_ =	sdelay $0x3  }
0x93: {  	_ =	strace s4  }
0x94: {  	s4 =	sld [smem:$0x3FFC];
	_ =	sdelay $0x3  }
0x95: {  	_ =	strace s4  }
0x96: {  	s4 =	sld [smem:$0x3FFD];
	_ =	sdelay $0x3  }
0x97: {  	_ =	strace s4  }
0x98: {  	_ =	strace $0x8FFFFFFF  }
0x99: {  	s19 =	sld [smem:$0x3FDB];
	_ =	sdelay $0x1  }
0x9a: {  	s5 =	simm.s32 $_scs_section_size  }
0x9b: {  	s6 =	simm.s32 $_size__tile_overlayer_lowered;
	s7 =	simm.s32 $_tile_overlayer_lowered  }
0x9c: {  	s22 =	simm.s32 $0x1BFF;
	s21 =	sshll.u32 s7, $0x1;
	s4 =	sadd.s32 s5, s19  }
0x9d: {  	s8 =	simm.s32 $0x0;
	s20 =	sshll.u32 s6, $0x1;
	s6 =	sadd.s32 s21, s4  }
0x9e: {  	[timem:s8], [sflag:s22] =	dma.local [hbm:s6], s20  }
0x9f: {  	_ =	swait.ge [sflag:s22], s20  }
0xa0: {  	s5 =	ssub.s32 $0x0, s20;
	[sflag:s22] =	ssyncset.done $0x0  }
0xa1: {  	[sflag:s22] =	ssyncadd.s32 s5;
	_ =	sdelay $0x1  }
0xa2: {  	s23 =	simm.s32 $0x1B8B  }
0xa3: {  	_ =	swait.ge [sflag:s23], $0x1  }
0xa4: {  	[sflag:s23] =	ssyncset.done $0x0  }
0xa5: {  	s25 =	simm.s32 $0x1B8E;
	s24 =	sld [smem:$0x3FFE];
	[sflag:s23] =	ssyncadd.s32 $0xFFFFFFFF  }
0xa6: {  	s26 =	simm.s32 $execute0_lowered;
	[smem:$0x3FD2] =	sst s25  }
0xa7: {  	s6 =	sshll.u32 s26, $0x1;
	_ =	strace $0x80000046;
	[dreg:$0x1] =	wrdreg $0xFFFFFFFF  }
0xa8: {  	s28 =	simm.s32 $_size_execute0_lowered;
	s4 =	sadd.s32 s4, s6;
	[dreg:$0x0] =	wrdreg $0x0  }
0xa9: {  	s6 =	sshll.u32 s28, $0x1;
	[dreg:$0x2] =	wrdreg s4  }
0xaa: {  	[dreg:$0x3] =	wrdreg s6  }
0xab: {  	[dreg:$0x4] =	wrdreg $0xC0  }
0xac: {  	_ =	task [dreg:s8], $0x5FFFF  }
0xad: {  	[dreg:$0x1] =	wrdreg $0xFFFFFFFF  }
0xae: {  	[dreg:$0x0] =	wrdreg $0x60  }
0xaf: {  	[dreg:$0x2] =	wrdreg s2  }
0xb0: {  	[dreg:$0x3] =	wrdreg s18  }
0xb1: {  	[dreg:$0x4] =	wrdreg s24  }
0xb2: {  	[dreg:$0x5] =	wrdreg $0x9  }
0xb3: {  	_ =	task.clear_ibuf [dreg:s8], $0x6FFFF;
	_ =	strace $0x90000046  }
0xb4: {  	s29 =	simm.s32 $0x9;
	_ =	strace $0x80000048  }
0xb5: {  	_ =	swait.ge [sflag:s29], $0x1  }
0xb6: {  	[sflag:s29] =	ssyncadd.s32 $0xFFFFFFFF  }
0xb7: {  	_ =	strace $0x90000048  }
0xb8: {  	_ =	sfence  }
0xb9: {  	s30 =	sld [smem:$0x0];
	_ =	sdelay $0x2  }
0xba: {  	s31 =	sshll.u32 s1, $0xD;
	s1 =	sshrl.u32 s1, $0x2  }
0xbb: {  	s3 =	sand.u32 $0x4000, s31;
	s1 =	sadd.s32 s1, s30  }
0xbc: {  	s0 =	sor.u32 s3, s0;
	s1 =	sshll.u32 s1, $0x11  }
0xbd: {  	s0 =	sor.u32 s1, s0  }
0xbe: {  	s0 =	sadd.s32 $0x8F2B, s0  }
0xbf: {  	[sflag:s0] =	ssyncadd.remote.s32 $0x1  }
0xc0: {  	_ =	sfence.sel $0xFFFF  }
0xc1: {  	[dreg:$0x0] =	wrdreg $0xFFFFFFFF;
	(pc) =	sbr.abs _section_cstart, $3  }
0xc2: {  	[dreg:$0x1] =	wrdreg $0xFFFFFFFF  }
0xc3: {  	_ =	task.clear_ibuf [dreg:s8], $0x2FFFF;
	_ =	strace $0x9FFFFFFF  }
0xc4: {  	(tm) =	ssettm $0x7FFFFFFF  }
0xc5: {  	_ =	shalt  }
tec
execute0_lowered:
.L_overlay_start_1:
0x0: {  	(tag) =	ssettag $0x1  }
0x1: {  	s2 =	rddreg [dreg:$0x0]  }
0x2: {  	s4 =	rddreg [dreg:$0x1]  }
0x3: {  	s5 =	rddreg [dreg:$0x2];
	s1 =	stileid.u32  }
0x4: {  	s6 =	srdreg.scid;
	s3 =	simm.s32 $0x0;
	s16 =	simm.s32 $0x400  }
0x5: {  	s17 =	simm.s32 $0x2000;
	s18 =	simm.s32 $0x6400;
	s7 =	sshll.u32 s1, $0x1  }
0x6: {  	s8 =	sand.u32 $0x1, s6;
	[smem:$0x7FF] =	sst s3;
	s20 =	sshrl.u32 s1, $0x1  }
0x7: {  	s29 =	sand.u32 $0x1, s1;
	s19 =	sand.u32 $0x2, s7;
	_ =	strace $0x80000047  }
0x8: {  	s9 =	sshll.u32 s20, $0x6;
	s21 =	ssub.s32 $0x2, s8;
	s14 =	smul.u32 $0x3E80, s29  }
0x9: {  	s23 =	sshll.u32 s20, $0x4;
	s24 =	sshll.u32 s20, $0xA;
	s15 =	smul.u32 $0x1F40, s8  }
0xa: {  	s6 =	sor.u32 s8, s19;
	s22 =	sshrl.u32 s21, $0x1;
	s4 =	sadd.s32 s4, s23  }
0xb: {  	s19 =	simm.s32 $0x1;
	s23 =	simm.s32 $0x0;
	s11 =	smul.u32 $0x1F40, s6  }
0xc: {  	s10 =	sshll.u32 s6, $0x4;
	s6 =	smul.u32 $0x7D0000, s6;
	s13 =	ssub.s32 s21, s22  }
0xd: {  	s31 =	sadd.s32 s15, s14;
	s14 =	simm.s32 $0xC800;
	s15 =	simm.s32 $0x3  }
0xe: {  	s21 =	simm.s32 $0xC880;
	s22 =	simm.s32 $0xC900;
	s9 =	sor.u32 s9, s10  }
0xf: {  	s12 =	sadd.s32 s9, s5;
	s25 =	sor.u32 s20, s11;
	s26 =	sor.u32 s24, s6  }
.Ltmp0:
0x10: {  	s11 =	smax.u32 s13, $0x1;
	s13 =	sadd.s32 $0x10A68, s31;
	(pc) =	sbr.rel .LBB2_1-.Ltmp0, $4  }
0x11: {  	s20 =	simm.s32 $0x2;
	s28 =	sshll.u32 s25, $0x7;
	s5 =	sadd.s32 $0x429A000, s26  }
0x12: {  	s7 =	sadd.s32 $0x10B30, s25;
	s8 =	sadd.s32 $0x10BF8, s25;
	s9 =	sadd.s32 $0x1000, s12  }
0x13: {  	s10 =	sadd.s32 $0x1200, s12;
	s6 =	sadd.s32 s2, s28;
	s30 =	sshrl.u32 s5, $0x3  }
0x14: {  	s12 =	sadd.s32 $0x109A0, s31;
	s5 =	sadd.s32 $0x84D000, s6;
	s6 =	sadd.s32 s2, s30  }
.LBB2_8:
0x15: {  	[tilespmem:$0xC880] =	vst v19  }
0x16: {  	[tilespmem:$0xC900] =	vst v13  }
0x17: {  	[tilespmem:$0xC890] =	vst v23  }
0x18: {  	[tilespmem:$0xC910] =	vst v20  }
0x19: {  	[tilespmem:$0xC8A0] =	vst v22  }
0x1a: {  	[tilespmem:$0xC8B0] =	vst v21  }
0x1b: {  	[tilespmem:$0xC930] =	vst v11  }
0x1c: {  	[tilespmem:$0xC8C0] =	vst v14  }
0x1d: {  	[tilespmem:$0xC940] =	vst v9  }
0x1e: {  	[tilespmem:$0xC8D0] =	vst v18  }
0x1f: {  	[tilespmem:$0xC8E0] =	vst v16  }
0x20: {  	[tilespmem:$0xC960] =	vst v12  }
0x21: {  	[tilespmem:$0xC8F0] =	vst v10  }
0x22: {  	[tilespmem:$0xC970] =	vst v8  }
0x23: {  	[tilespmem:$0xC920] =	vst v17  }
0x24: {  	[tilespmem:$0xC950] =	vst v15  }
0x25: {  	[hbm4b:s9+s3] =	stream.linear.scatter [tilespmem:s21], [sflag:$0x3], $0x80, $0x38;
	[tilespmem:$0xC980] =	vst v63  }
0x26: {  	s23 =	sadd.s32 $0x1, s23;
	_ =	swait.ge [sflag:s15], $0x80  }
0x27: {  	p0 =	sne.s32 s23, s11;
	[sflag:s15] =	ssyncset.done $0x0  }
.Ltmp1:
0x28: {  	[sflag:s15] =	ssyncadd.s32 $0xFFFFFF80;
	(pc) =	sbr.rel @!p0 .LBB2_9-.Ltmp1, $4  }
0x29: {  	[hbm4b:s10+s3] =	stream.linear.scatter [tilespmem:s22], [sflag:$0x3], $0x80, $0x38;
	[tilespmem:$0xC980] =	vst v63  }
0x2a: {  	_ =	swait.ge [sflag:s15], $0x80  }
0x2b: {  	[sflag:s15] =	ssyncset.done $0x0  }
0x2c: {  	[sflag:s15] =	ssyncadd.s32 $0xFFFFFF80  }
.LBB2_1:
0x2d: {  	[tilespmem:s14], [sflag:$0x3] =	stream.linear.gather [hbm4b:s4+s3], $0x80, $0x38;
	[tilespmem:$0xC980] =	vst v63  }
0x2e: {  	_ =	swait.ge [sflag:s15], $0x80  }
0x2f: {  	[sflag:s15] =	ssyncset.done $0x0  }
0x30: {  	[sflag:s15] =	ssyncadd.s32 $0xFFFFFF80  }
0x31: {  	v0 =	vld [tilespmem:$0xC800]  }
0x32: {  	v1 =	vld [tilespmem:$0xC810]  }
0x33: {  	v2 =	vld [tilespmem:$0xC820]  }
0x34: {  	v3 =	vld [tilespmem:$0xC830]  }
0x35: {  	v8 =	vimm.f32 $0.0e+00;
	v4 =	vld [tilespmem:$0xC840]  }
0x36: {  	v12 =	vimm.f32 $0.0e+00;
	v15 =	vimm.f32 $0.0e+00;
	v9 =	vimm.f32 $0.0e+00;
	v5 =	vld [tilespmem:$0xC850]  }
0x37: {  	v11 =	vimm.f32 $0.0e+00;
	v17 =	vimm.f32 $0.0e+00;
	v20 =	vimm.f32 $0.0e+00;
	v6 =	vld [tilespmem:$0xC860]  }
0x38: {  	v13 =	vimm.f32 $0.0e+00;
	v10 =	vimm.f32 $0.0e+00;
	v16 =	vimm.f32 $0.0e+00;
	v7 =	vld [tilespmem:$0xC870];
	[tilespmem:s3], [sflag:$0x1] =	stream.strided.gather [hbm4b:s5+s16], $0x6400, s17, s16, $0x38  }
0x39: {  	v18 =	vimm.f32 $0.0e+00;
	v14 =	vimm.f32 $0.0e+00;
	v21 =	vimm.f32 $0.0e+00;
	s24 =	smov.u32 s13;
	s25 =	smov.u32 s12;
	s26 =	simm.s32 $0x0  }
0x3a: {  	v22 =	vimm.f32 $0.0e+00;
	v23 =	vimm.f32 $0.0e+00;
	v19 =	vimm.f32 $0.0e+00;
	[tilespmem:s18], [sflag:$0x2] =	stream.strided.gather [hbm4b:s6+s16], $0x6400, s17, s16, $0x38;
	[tilespmem:$0xC980] =	vst v63  }
.LBB2_2:
0x3b: {  	_ =	swait.ge [sflag:s19], $0x6400  }
0x3c: {  	[sflag:s19] =	ssyncset.done $0x0  }
0x3d: {  	s30 =	simm.s32 $0x40;
	[sflag:s19] =	ssyncadd.s32 $0xFFFF9C00  }
0x3e: {  	v24 =	vld [tilespmem:s30+$0xFFFFFFD0]  }
0x3f: {  	v25 =	vld [tilespmem:s30+$0x20]  }
0x40: {  	v26 =	vld [tilespmem:s30+$0xFFFFFFE0]  }
0x41: {  	s28 =	sadd.s32 $0x0, s25  }
0x42: {  	vm2 =	veq.s32 v1, s28;
	v27 =	vld [tilespmem:s30+$0x10]  }
0x43: {  	vm0 =	veq.s32 v0, s28;
	vm3 =	veq.s32 v2, s28;
	vm6 =	veq.s32 v6, s28;
	v28 =	vld [tilespmem:s30+$0xFFFFFFF0]  }
0x44: {  	v23 =	vadd.f32 v24, v23;
	v29 =	vnsel vm2, $0x0, v24;
	v16 =	vadd.f32 v25, v16;
	v24 =	vld [tilespmem:s30+$0x30]  }
0x45: {  	v22 =	vadd.f32 v26, v22;
	v30 =	vnsel vm3, $0x0, v26;
	v25 =	vnsel vm6, $0x0, v25;
	v26 =	vld [tilespmem:s30+$0x0]  }
0x46: {  	vm4 =	veq.s32 v3, s28;
	vm5 =	veq.s32 v5, s28;
	v12 =	vadd.f32 v25, v12;
	v25 =	vld [tilespmem:s30+$0xFFFFFFC0]  }
0x47: {  	vm1 =	veq.s32 v7, s28;
	vm2 =	veq.s32 v4, s28;
	v18 =	vadd.f32 v27, v18  }
0x48: {  	v21 =	vadd.f32 v28, v21;
	v20 =	vadd.f32 v29, v20;
	v29 =	vnsel vm5, $0x0, v27  }
0x49: {  	s29 =	simm.s32 $0x1;
	s28 =	smul.u32 $0x190, s26;
	v27 =	vnsel vm4, $0x0, v28;
	v17 =	vadd.f32 v30, v17;
	s30 =	simm.s32 $0xC0;
	v15 =	vadd.f32 v29, v15  }
.LBB2_3:
0x4a: {  	v28 =	vld [tilespmem:s30+$0xFFFFFFD0];
	p0 =	sne.s32 s29, $0xC7;
	v14 =	vadd.f32 v26, v14;
	v26 =	vnsel vm2, $0x0, v26;
	v10 =	vadd.f32 v24, v10;
	s31 =	smov.u32 s29;
	s29 =	sadd.s32 $0x1, s29  }
0x4b: {  	v11 =	vadd.f32 v27, v11;
	v24 =	vnsel vm1, $0x0, v24;
	v29 =	vld [tilespmem:s30+$0x20];
	v19 =	vadd.f32 v25, v19  }
0x4c: {  	s31 =	sadd.s32 s31, s25;
	v25 =	vnsel vm0, $0x0, v25;
	v9 =	vadd.f32 v26, v9;
	v8 =	vadd.f32 v24, v8;
	v27 =	vld [tilespmem:s30+$0xFFFFFFE0]  }
0x4d: {  	vm2 =	veq.s32 v1, s31;
	vm1 =	veq.s32 v7, s31;
	v13 =	vadd.f32 v25, v13;
	v30 =	vld [tilespmem:s30+$0x10]  }
0x4e: {  	vm0 =	veq.s32 v0, s31;
	vm3 =	veq.s32 v2, s31;
	vm4 =	veq.s32 v3, s31;
	v31 =	vld [tilespmem:s30+$0xFFFFFFF0]  }
0x4f: {  	v23 =	vadd.f32 v28, v23;
	v28 =	vnsel vm2, $0x0, v28;
	vm2 =	veq.s32 v4, s31;
	v24 =	vld [tilespmem:s30+$0x30]  }
.Ltmp2:
0x50: {  	vm5 =	veq.s32 v5, s31;
	vm6 =	veq.s32 v6, s31;
	v26 =	vld [tilespmem:s30+$0x0];
	v16 =	vadd.f32 v29, v16;
	(pc) =	sbr.rel @p0 .LBB2_3-.Ltmp2, $4  }
0x51: {  	v29 =	vnsel vm6, $0x0, v29;
	v25 =	vld [tilespmem:s30+$0xFFFFFFC0];
	v22 =	vadd.f32 v27, v22;
	v32 =	vnsel vm3, $0x0, v27  }
0x52: {  	v20 =	vadd.f32 v28, v20;
	v18 =	vadd.f32 v30, v18;
	v28 =	vnsel vm5, $0x0, v30  }
0x53: {  	v12 =	vadd.f32 v29, v12;
	v21 =	vadd.f32 v31, v21;
	v27 =	vnsel vm4, $0x0, v31  }
0x54: {  	s30 =	sadd.s32 $0x80, s30;
	v17 =	vadd.f32 v32, v17;
	v15 =	vadd.f32 v28, v15  }
0x55: {  	p0 =	seq.s32 s26, $0x13  }
0x56: {  	s29 =	sadd.s32 @!p0 s28, s7  }
0x57: {  	s29 =	sshll.u32 @!p0 s29, $0x7  }
0x58: {  	s30 =	simm.s32 @!p0 $0x400;
	s29 =	sand.u32 @!p0 $0x1FFFFB80, s29  }
0x59: {  	s31 =	simm.s32 @!p0 $0x2000;
	s0 =	simm.s32 @!p0 $0x0;
	s29 =	sadd.s32 @!p0 s2, s29  }
0x5a: {  	[tilespmem:s0], [sflag:$0x1] =	stream.strided.gather @!p0 [hbm4b:s29+s30], $0x6400, s31, s30, $0x38;
	[tilespmem:$0xC980] =	vst v63  }
0x5b: {  	_ =	swait.ge [sflag:s20], $0x6400  }
0x5c: {  	[sflag:s20] =	ssyncset.done $0x0  }
0x5d: {  	s31 =	simm.s32 $0x6440;
	[sflag:s20] =	ssyncadd.s32 $0xFFFF9C00  }
0x5e: {  	v14 =	vadd.f32 v26, v14;
	v26 =	vnsel vm2, $0x0, v26;
	v28 =	vld [tilespmem:s31+$0xFFFFFFD0]  }
0x5f: {  	v19 =	vadd.f32 v25, v19;
	v25 =	vnsel vm0, $0x0, v25;
	v9 =	vadd.f32 v26, v9;
	v26 =	vld [tilespmem:s31+$0xFFFFFFE0]  }
0x60: {  	v10 =	vadd.f32 v24, v10;
	v24 =	vnsel vm1, $0x0, v24;
	v13 =	vadd.f32 v25, v13;
	s29 =	sadd.s32 $0x0, s24;
	v25 =	vld [tilespmem:s31+$0x10]  }
0x61: {  	v11 =	vadd.f32 v27, v11;
	v8 =	vadd.f32 v24, v8;
	vm2 =	veq.s32 v1, s29;
	v27 =	vld [tilespmem:s31+$0x20]  }
0x62: {  	vm1 =	veq.s32 v7, s29;
	vm0 =	veq.s32 v0, s29;
	vm3 =	veq.s32 v2, s29;
	v29 =	vld [tilespmem:s31+$0xFFFFFFF0]  }
0x63: {  	vm5 =	veq.s32 v5, s29;
	vm6 =	veq.s32 v6, s29;
	v24 =	vld [tilespmem:s31+$0x30];
	v23 =	vadd.f32 v28, v23  }
0x64: {  	v28 =	vnsel vm2, $0x0, v28;
	v22 =	vadd.f32 v26, v22;
	v30 =	vnsel vm3, $0x0, v26;
	v26 =	vld [tilespmem:s31+$0x0]  }
0x65: {  	v18 =	vadd.f32 v25, v18;
	v20 =	vadd.f32 v28, v20;
	v28 =	vnsel vm5, $0x0, v25;
	v25 =	vld [tilespmem:s31+$0xFFFFFFC0]  }
0x66: {  	vm4 =	veq.s32 v3, s29;
	v16 =	vadd.f32 v27, v16;
	v27 =	vnsel vm6, $0x0, v27  }
0x67: {  	vm2 =	veq.s32 v4, s29;
	v21 =	vadd.f32 v29, v21;
	v12 =	vadd.f32 v27, v12  }
0x68: {  	s30 =	simm.s32 $0x64C0;
	s29 =	simm.s32 $0x1;
	v27 =	vnsel vm4, $0x0, v29;
	v17 =	vadd.f32 v30, v17;
	v15 =	vadd.f32 v28, v15  }
.LBB2_5:
0x69: {  	v28 =	vld [tilespmem:s30+$0xFFFFFFD0];
	p1 =	sne.s32 s29, $0xC7;
	v14 =	vadd.f32 v26, v14;
	v26 =	vnsel vm2, $0x0, v26;
	v10 =	vadd.f32 v24, v10;
	s0 =	smov.u32 s29;
	s29 =	sadd.s32 $0x1, s29  }
0x6a: {  	v11 =	vadd.f32 v27, v11;
	v24 =	vnsel vm1, $0x0, v24;
	v29 =	vld [tilespmem:s30+$0x20];
	v19 =	vadd.f32 v25, v19  }
0x6b: {  	s0 =	sadd.s32 s0, s24;
	v25 =	vnsel vm0, $0x0, v25;
	v9 =	vadd.f32 v26, v9;
	v8 =	vadd.f32 v24, v8;
	v27 =	vld [tilespmem:s30+$0xFFFFFFE0]  }
0x6c: {  	vm2 =	veq.s32 v1, s0;
	vm1 =	veq.s32 v7, s0;
	v13 =	vadd.f32 v25, v13;
	v30 =	vld [tilespmem:s30+$0x10]  }
0x6d: {  	vm0 =	veq.s32 v0, s0;
	vm3 =	veq.s32 v2, s0;
	vm4 =	veq.s32 v3, s0;
	v31 =	vld [tilespmem:s30+$0xFFFFFFF0]  }
0x6e: {  	v23 =	vadd.f32 v28, v23;
	v28 =	vnsel vm2, $0x0, v28;
	vm2 =	veq.s32 v4, s0;
	v24 =	vld [tilespmem:s30+$0x30]  }
.Ltmp3:
0x6f: {  	vm5 =	veq.s32 v5, s0;
	vm6 =	veq.s32 v6, s0;
	v26 =	vld [tilespmem:s30+$0x0];
	v16 =	vadd.f32 v29, v16;
	(pc) =	sbr.rel @p1 .LBB2_5-.Ltmp3, $4  }
0x70: {  	v29 =	vnsel vm6, $0x0, v29;
	v25 =	vld [tilespmem:s30+$0xFFFFFFC0];
	v22 =	vadd.f32 v27, v22;
	v32 =	vnsel vm3, $0x0, v27  }
0x71: {  	v20 =	vadd.f32 v28, v20;
	v18 =	vadd.f32 v30, v18;
	v28 =	vnsel vm5, $0x0, v30  }
0x72: {  	v12 =	vadd.f32 v29, v12;
	v21 =	vadd.f32 v31, v21;
	v27 =	vnsel vm4, $0x0, v31  }
0x73: {  	s30 =	sadd.s32 $0x80, s30;
	v17 =	vadd.f32 v32, v17;
	v15 =	vadd.f32 v28, v15  }
.Ltmp4:
0x74: {  	(pc) =	sbr.rel @p0 .LBB2_8-.Ltmp4, $4  }
0x75: {  	v14 =	vadd.f32 v26, v14;
	v10 =	vadd.f32 v24, v10  }
0x76: {  	v61 =	vnsel vm2, $0x0, v26;
	v11 =	vadd.f32 v27, v11;
	v62 =	vnsel vm1, $0x0, v24  }
0x77: {  	v19 =	vadd.f32 v25, v19;
	v63 =	vnsel vm0, $0x0, v25;
	v9 =	vadd.f32 v61, v9  }
0x78: {  	v8 =	vadd.f32 v62, v8;
	v13 =	vadd.f32 v63, v13  }
.Ltmp5:
0x79: {  	s0 =	sadd.s32 s28, s8;
	(pc) =	sbr.rel .LBB2_2-.Ltmp5, $4  }
0x7a: {  	s0 =	sshll.u32 s0, $0x7  }
0x7b: {  	s26 =	sadd.s32 $0x1, s26;
	s0 =	sand.u32 $0x1FFFFF80, s0  }
0x7c: {  	s25 =	sadd.s32 $0x190, s25;
	s24 =	sadd.s32 $0x190, s24;
	s0 =	sadd.s32 s2, s0  }
0x7d: {  	[tilespmem:s18], [sflag:$0x2] =	stream.strided.gather [hbm4b:s0+s16], $0x6400, s17, s16, $0x38;
	[tilespmem:$0xC980] =	vst v63  }
.LBB2_9:
0x7e: {  	_ =	sfence.sel $0x180000  }
0x7f: {  	[bflag:$0x0] =	sbarrier.arrive $0xFFFF  }
0x80: {  	_ =	strace $0x90000047  }
0x81: {  	[bflag:$0x2] =	sbarrier.arrive $0xFFFF  }
0x82: {  	p0 =	sne.s32 s1, $0x0;
	s0 =	rddreg [dreg:$0x3]  }
0x83: {  	s0 =	sadd.s32 @!p0 $0x100000, s0  }
0x84: {  	[sflag:s0] =	ssyncadd.tile.s32 @!p0 $0x1;
	_ =	shalt  }
.Lfunc_end2:
_tile_overlayer_lowered:
.L_overlay_start_2:
0x85: {  	(tag) =	ssettag $0x2  }
0x86: {  	s0 =	rddreg [dreg:$0x0];
	s2 =	stileid.u32  }
0x87: {  	s1 =	rddreg [dreg:$0x1];
	p0 =	sne.s32 s2, $0x0  }
0x88: {  	s3 =	rddreg [dreg:$0x2];
	[bflag:$0x3] =	sbarrier.arrive $0xFFFF;
	s2 =	simm.s32 @!p0 $0x1C03  }
0x89: {  	[timem:s3], [sflag:s2] =	dma.local @!p0 [hbm:s0], s1  }
0x8a: {  	s0 =	simm.s32 @!p0 $0x3  }
0x8b: {  	_ =	swait.ge @!p0 [sflag:s0], s1  }
0x8c: {  	s1 =	ssub.s32 @!p0 $0x0, s1;
	[sflag:s0] =	ssyncset.done @!p0 $0x0  }
0x8d: {  	[sflag:s0] =	ssyncadd.s32 @!p0 s1  }
0x8e: {  	[bflag:$0x3] =	sbarrier.arrive $0xFFFF  }
0x8f: {  	_ =	shalt  }

</sc_bundles>
